<compile_context>
chip_gen: v7x
topology: tpu7x:2x2x1
jax: 0.10.2.dev20260603
libtpu: 0.0.44.dev20260713+nightly
codegen_flags: <defaults>
</compile_context>

<pallas_src>
import jax
import jax.numpy as jnp
from jax import lax
from jax.experimental import pallas as pl
from jax.experimental.pallas import tpu as pltpu
from jax.experimental.pallas import tpu_sc as plsc

N_NODES = 10000
N_EDGES = 320000
D_FEAT = 128
D_PACK = D_FEAT // 2

NUM_CORES = 2
NUM_SUBCORES = 16
LANES = 16
NUM_WORKERS = NUM_CORES * NUM_SUBCORES

EDGES_PER_WORKER = N_EDGES // NUM_WORKERS
BLOCK = 80
NBUF = 5
NUM_BLOCKS = EDGES_PER_WORKER // BLOCK
GROUPS = BLOCK // LANES

STAGE_ROWS = 80
ROWS_MAIN = 640
ROWS_LAST = N_NODES - 15 * ROWS_MAIN


def _score_body(h_hbm, src_hbm, dst_hbm, out_hbm, h_sp, sidx_all, didx_all,
                stage_f32, pack_buf, *scratch):
    urows = scratch[0:NBUF]
    vrows = scratch[NBUF:2 * NBUF]
    sbufs = scratch[2 * NBUF:3 * NBUF]
    sem_rows = scratch[3 * NBUF:4 * NBUF]
    sem_out = scratch[4 * NBUF:5 * NBUF]

    sid = lax.axis_index("s")
    wid = sid * NUM_CORES + lax.axis_index("c")
    base = wid * EDGES_PER_WORKER
    lane_iota = lax.iota(jnp.int32, LANES)

    row_base = sid * ROWS_MAIN
    n_chunks = jnp.where(sid < NUM_SUBCORES - 1,
                         ROWS_MAIN // STAGE_ROWS, ROWS_LAST // STAGE_ROWS)

    def stage_chunk(c, carry):
        r0 = row_base + c * STAGE_ROWS
        pltpu.sync_copy(h_hbm.at[pl.ds(r0, STAGE_ROWS)], stage_f32)

        def pack_row(r, carry2):
            for t in range(D_FEAT // 32):
                a = stage_f32[r, pl.ds(32 * t, LANES)]
                b = stage_f32[r, pl.ds(32 * t + LANES, LANES)]
                packed = plsc.pack(a, b, format=plsc.PackFormat.INTERLEAVED)
                pack_buf[r, pl.ds(LANES * t, LANES)] = plsc.bitcast(
                    packed, jnp.int32)
            return carry2

        lax.fori_loop(0, STAGE_ROWS, pack_row, 0)
        pltpu.sync_copy(pack_buf, h_sp.at[pl.ds(r0, STAGE_ROWS)])
        return carry

    lax.fori_loop(0, n_chunks, stage_chunk, 0)
    plsc.subcore_barrier()

    pltpu.sync_copy(src_hbm.at[pl.ds(base, EDGES_PER_WORKER)], sidx_all)
    pltpu.sync_copy(dst_hbm.at[pl.ds(base, EDGES_PER_WORKER)], didx_all)

    def issue_gather(blk, slot):
        idx = pl.ds(blk * BLOCK, BLOCK)
        pltpu.async_copy(h_sp.at[sidx_all.at[idx]], urows[slot],
                         sem_rows[slot])
        pltpu.async_copy(h_sp.at[didx_all.at[idx]], vrows[slot],
                         sem_rows[slot])

    for b in range(NBUF):
        issue_gather(b, b)

    def compute_block(slot):
        u_ref = urows[slot]
        v_ref = vrows[slot]

        def group_body(g, carry2):
            rows = jnp.full((LANES,), g * LANES, jnp.int32) + lane_iota

            def col4_body(j, acc):
                kbase = j * 2
                parts = []
                for t in range(2):
                    cols = (lane_iota + (kbase + t)) & (D_PACK - 1)
                    uw = plsc.load_gather(u_ref, [rows, cols])
                    vw = plsc.load_gather(v_ref, [rows, cols])
                    pw = (plsc.bitcast(uw, jnp.bfloat16)
                          * plsc.bitcast(vw, jnp.bfloat16))
                    pa, pb = plsc.unpack(
                        pw, format=plsc.PackFormat.INTERLEAVED,
                        preferred_element_type=jnp.float32)
                    parts.append(pa + pb)
                s = parts[0] + parts[1]
                return acc + s

            acc = lax.fori_loop(0, D_PACK // 2, col4_body,
                                jnp.zeros((LANES,), jnp.float32))
            sbufs[slot][pl.ds(g * LANES, LANES)] = acc
            return carry2

        lax.fori_loop(0, GROUPS, group_body, 0)

    def outer_body(g, carry):
        for b in range(NBUF):
            blk = g * NBUF + b
            pltpu.make_async_copy(h_hbm.at[pl.ds(0, STAGE_ROWS)],
                                  stage_f32, sem_rows[b]).wait()

            @pl.when(blk >= NBUF)
            def _():
                pltpu.make_async_copy(
                    sbufs[b], out_hbm.at[pl.ds(0, BLOCK)], sem_out[b]).wait()

            compute_block(b)
            pltpu.async_copy(sbufs[b],
                             out_hbm.at[pl.ds(base + blk * BLOCK, BLOCK)],
                             sem_out[b])

            @pl.when(blk + NBUF < NUM_BLOCKS)
            def _():
                issue_gather(blk + NBUF, b)
        return carry

    lax.fori_loop(0, NUM_BLOCKS // NBUF, outer_body, 0)

    for b in range(NBUF):
        pltpu.make_async_copy(sbufs[b], out_hbm.at[pl.ds(0, BLOCK)],
                              sem_out[b]).wait()


@jax.jit
def kernel(h, edge_index):
    edge_index = edge_index.astype(jnp.int32)
    src = edge_index[0]
    dst = edge_index[1]

    mesh = plsc.VectorSubcoreMesh(core_axis_name="c", subcore_axis_name="s")
    scratch = (
        [pltpu.MemorySpace.VMEM_SHARED((N_NODES, D_PACK), jnp.int32)]
        + [pltpu.VMEM((EDGES_PER_WORKER,), jnp.int32)] * 2
        + [pltpu.VMEM((STAGE_ROWS, D_FEAT), jnp.float32)]
        + [pltpu.VMEM((STAGE_ROWS, D_PACK), jnp.int32)]
        + [pltpu.VMEM((BLOCK, D_PACK), jnp.int32)] * (2 * NBUF)
        + [pltpu.VMEM((BLOCK,), jnp.float32)] * NBUF
        + [pltpu.SemaphoreType.DMA] * (2 * NBUF)
    )
    score = pl.kernel(
        _score_body,
        out_type=jax.ShapeDtypeStruct((N_EDGES,), jnp.float32),
        mesh=mesh,
        scratch_types=scratch,
        compiler_params=pltpu.CompilerParams(
            needs_layout_passes=False, use_tc_tiling_on_sc=False),
    )(h, src, dst)
    return score.reshape(N_EDGES, 1)

# --- scband reference (transcript-rebuilt; emitter-appended) ---
"""Pipeline reference for scband-score-predictor-13511967113601 (READ-ONLY COPY).

The authoritative reference and input builder live on the scoring server;
editing this copy changes nothing except your own understanding.
"""

import jax, jax.numpy as jnp
import numpy as np

N_NODES = 10000
N_EDGES = 320000
D_FEAT = 128

def setup_inputs(seed: int = 0) -> dict:
    key = jax.random.key(seed)
    k1, k2 = jax.random.split(key)
    h = jax.random.normal(k1, (N_NODES, D_FEAT), dtype=jnp.float32)
    edge_index = jax.random.randint(k2, (2, N_EDGES), 0, N_NODES, dtype=jnp.int64)
    return {"h": h, "edge_index": edge_index}

def reference(h, edge_index):
    # DGL u_dot_v('h','h','score'): for each edge (u, v), score = <h[u], h[v]>
    src = edge_index[0]
    dst = edge_index[1]
    h_u = jnp.take(h, src, axis=0)  # [E, d]
    h_v = jnp.take(h, dst, axis=0)  # [E, d]
    score = jnp.sum(h_u * h_v, axis=-1, keepdims=True)  # [E, 1], matches dgl edata['score'] shape
    return score

if __name__ == "__main__":
    import jax
    _d = setup_inputs()
    print(jax.jit(kernel)(*tuple(_d.values())))

</pallas_src>

<mosaic_0001>
#map = affine_map<(d0, d1) -> (0, 0)>
#map1 = affine_map<(d0, d1) -> (0)>
module attributes {stable_mosaic.version = 14 : i64} {
  func.func @_score_body(%arg0: i32, %arg1: i32, %arg2: memref<10000x128xf32, #tpu.memory_space<hbm>>, %arg3: memref<320000xi32, #tpu.memory_space<hbm>>, %arg4: memref<320000xi32, #tpu.memory_space<hbm>>, %arg5: memref<320000xf32, #tpu.memory_space<hbm>>, %arg6: memref<10000x64xi32, #tpu.memory_space<vmem_shared>>, %arg7: memref<10000xi32, #tpu.memory_space<vmem>>, %arg8: memref<10000xi32, #tpu.memory_space<vmem>>, %arg9: memref<80x128xf32, #tpu.memory_space<vmem>>, %arg10: memref<80x64xi32, #tpu.memory_space<vmem>>, %arg11: memref<80x64xi32, #tpu.memory_space<vmem>>, %arg12: memref<80x64xi32, #tpu.memory_space<vmem>>, %arg13: memref<80x64xi32, #tpu.memory_space<vmem>>, %arg14: memref<80x64xi32, #tpu.memory_space<vmem>>, %arg15: memref<80x64xi32, #tpu.memory_space<vmem>>, %arg16: memref<80x64xi32, #tpu.memory_space<vmem>>, %arg17: memref<80x64xi32, #tpu.memory_space<vmem>>, %arg18: memref<80x64xi32, #tpu.memory_space<vmem>>, %arg19: memref<80x64xi32, #tpu.memory_space<vmem>>, %arg20: memref<80x64xi32, #tpu.memory_space<vmem>>, %arg21: memref<80xf32, #tpu.memory_space<vmem>>, %arg22: memref<80xf32, #tpu.memory_space<vmem>>, %arg23: memref<80xf32, #tpu.memory_space<vmem>>, %arg24: memref<80xf32, #tpu.memory_space<vmem>>, %arg25: memref<80xf32, #tpu.memory_space<vmem>>, %arg26: memref<!tpu.dma_semaphore, #tpu.memory_space<semaphore_mem>>, %arg27: memref<!tpu.dma_semaphore, #tpu.memory_space<semaphore_mem>>, %arg28: memref<!tpu.dma_semaphore, #tpu.memory_space<semaphore_mem>>, %arg29: memref<!tpu.dma_semaphore, #tpu.memory_space<semaphore_mem>>, %arg30: memref<!tpu.dma_semaphore, #tpu.memory_space<semaphore_mem>>, %arg31: memref<!tpu.dma_semaphore, #tpu.memory_space<semaphore_mem>>, %arg32: memref<!tpu.dma_semaphore, #tpu.memory_space<semaphore_mem>>, %arg33: memref<!tpu.dma_semaphore, #tpu.memory_space<semaphore_mem>>, %arg34: memref<!tpu.dma_semaphore, #tpu.memory_space<semaphore_mem>>, %arg35: memref<!tpu.dma_semaphore, #tpu.memory_space<semaphore_mem>>) attributes {dimension_semantics = [#tpu.dimension_semantics<core_parallel>, #tpu.dimension_semantics<subcore_parallel>], iteration_bounds = array<i64: 2, 16>, scalar_prefetch = 0 : i64, scratch_operands = 30 : i64, tpu.core_type = #tpu.core_type<sc_vector_subcore>, window_params = [{transform_indices = #map}, {transform_indices = #map1}, {transform_indices = #map1}, {transform_indices = #map1}]} {
    %mul3A = arith.constant 2 : i32
    %mul3A_0 = arith.muli %arg1, %mul3A : i32
    %add3A = arith.addi %mul3A_0, %arg0 : i32
    %mul3A_1 = arith.constant 10000 : i32
    %mul3A_2 = arith.muli %add3A, %mul3A_1 : i32
    %iota3A = tpu.iota {dimensions = array<i32: 0>} : vector<16xi32>
    %mul3A_3 = arith.constant 640 : i32
    %mul3A_4 = arith.muli %arg1, %mul3A_3 : i32
    %lt3A = arith.constant 15 : i32
    %lt3A_5 = arith.cmpi slt, %arg1, %lt3A : i32
    %jit3A = arith.constant 8 : i32
    %jit3A_6 = arith.constant 5 : i32
    %select_n3A = arith.select %lt3A_5, %jit3A, %jit3A_6 : i32
    %while3A = arith.constant 0 : i32
    %while3A_7 = arith.constant 0 : i32
    %while3A_8 = arith.subi %select_n3A, %while3A_7 : i32
    %while3A_9 = arith.addi %while3A_7, %while3A_8 : i32
    %while3A_10 = arith.constant 1 : i32
    %while3A_11 = arith.divsi %while3A_8, %while3A_10 : i32
    %while3A_12 = arith.muli %while3A_11, %while3A_10 : i32
    %while3A_13 = arith.addi %while3A_7, %while3A_12 : i32
    %while3A_14 = arith.constant 1 : i32
    scf.for %while3A_89 = %while3A_7 to %while3A_13 step %while3A_14  : i32 {
      %mul3A_90 = arith.constant 80 : i32
      %mul3A_91 = arith.muli %while3A_89, %mul3A_90 : i32
      %add3A_92 = arith.addi %mul3A_4, %mul3A_91 : i32
      "tpu.region"() ({
        %run_scoped3A = tpu.sem_alloc : memref<!tpu.dma_semaphore, #tpu.memory_space<semaphore_mem>>
        %dma_start3A_99 = arith.constant 0 : i32
        %dma_start3A_100 = tpu.memref_slice %arg2[%add3A_92, %dma_start3A_99] : memref<10000x128xf32, #tpu.memory_space<hbm>> -> memref<80x128xf32, #tpu.memory_space<hbm>>
        %dma_start3A_101 = arith.constant 0 : i32
        %dma_start3A_102 = tpu.memref_slice %arg2[%add3A_92, %dma_start3A_101] : memref<10000x128xf32, #tpu.memory_space<hbm>> -> memref<80x128xf32, #tpu.memory_space<hbm>>
        tpu.enqueue_dma source(%dma_start3A_102 : memref<80x128xf32, #tpu.memory_space<hbm>>) target(%arg9 : memref<80x128xf32, #tpu.memory_space<vmem>>) target_semaphore(%run_scoped3A : memref<!tpu.dma_semaphore, #tpu.memory_space<semaphore_mem>>)
        %dma_wait3A_103 = arith.constant 0 : i32
        %dma_wait3A_104 = tpu.memref_slice %arg2[%add3A_92, %dma_wait3A_103] : memref<10000x128xf32, #tpu.memory_space<hbm>> -> memref<80x128xf32, #tpu.memory_space<hbm>>
        %dma_wait3A_105 = arith.constant 0 : i32
        %dma_wait3A_106 = tpu.memref_slice %arg2[%add3A_92, %dma_wait3A_105] : memref<10000x128xf32, #tpu.memory_space<hbm>> -> memref<80x128xf32, #tpu.memory_space<hbm>>
        tpu.wait_dma2 semaphore(%run_scoped3A : memref<!tpu.dma_semaphore, #tpu.memory_space<semaphore_mem>>) src(%dma_wait3A_106 : memref<80x128xf32, #tpu.memory_space<hbm>>) dst(%arg9 : memref<80x128xf32, #tpu.memory_space<vmem>>)
        tpu.yield
      }) : () -> ()
      %scan3A_93 = arith.constant 0 : i32
      %scan3A_94 = arith.constant 0 : i32
      %scan3A_95 = arith.constant 80 : i32
      %scan3A_96 = arith.addi %scan3A_94, %scan3A_95 : i32
      %scan3A_97 = arith.constant 1 : i32
      scf.for %scan3A_99 = %scan3A_94 to %scan3A_96 step %scan3A_97  : i32 {
        %get3A = arith.index_cast %scan3A_99 : i32 to index
        %get3A_100 = arith.constant 0 : index
        %get3A_101 = tpu.vector_load %arg9[%get3A, %get3A_100] {strides = array<i32>} : memref<80x128xf32, #tpu.memory_space<vmem>>, vector<16xf32>,
        %get3A_102 = arith.index_cast %scan3A_99 : i32 to index
        %get3A_103 = arith.constant 16 : index
        %get3A_104 = tpu.vector_load %arg9[%get3A_102, %get3A_103] {strides = array<i32>} : memref<80x128xf32, #tpu.memory_space<vmem>>, vector<16xf32>,
        %pack3A = tpu.pack_subelements %get3A_101, %get3A_104 {pack_format = #tpu.pack_format<interleaved>, positions = array<i32: 0, 1>} : vector<16xf32>, vector<16xf32> -> vector<32xbf16>
        %bitcast3A = vector.bitcast %pack3A : vector<32xbf16> to vector<16xi32>
        %swap3A = arith.index_cast %scan3A_99 : i32 to index
        %swap3A_105 = arith.constant 0 : index
        %swap3A_106 = tpu.vector_load %arg10[%swap3A, %swap3A_105] {strides = array<i32>} : memref<80x64xi32, #tpu.memory_space<vmem>>, vector<16xi32>,
        tpu.vector_store %arg10[%swap3A, %swap3A_105], %bitcast3A {strides = array<i32>} : memref<80x64xi32, #tpu.memory_space<vmem>>, vector<16xi32>,
        %get3A_107 = arith.index_cast %scan3A_99 : i32 to index
        %get3A_108 = arith.constant 32 : index
        %get3A_109 = tpu.vector_load %arg9[%get3A_107, %get3A_108] {strides = array<i32>} : memref<80x128xf32, #tpu.memory_space<vmem>>, vector<16xf32>,
        %get3A_110 = arith.index_cast %scan3A_99 : i32 to index
        %get3A_111 = arith.constant 48 : index
        %get3A_112 = tpu.vector_load %arg9[%get3A_110, %get3A_111] {strides = array<i32>} : memref<80x128xf32, #tpu.memory_space<vmem>>, vector<16xf32>,
        %pack3A_113 = tpu.pack_subelements %get3A_109, %get3A_112 {pack_format = #tpu.pack_format<interleaved>, positions = array<i32: 0, 1>} : vector<16xf32>, vector<16xf32> -> vector<32xbf16>
        %bitcast3A_114 = vector.bitcast %pack3A_113 : vector<32xbf16> to vector<16xi32>
        %swap3A_115 = arith.index_cast %scan3A_99 : i32 to index
        %swap3A_116 = arith.constant 16 : index
        %swap3A_117 = tpu.vector_load %arg10[%swap3A_115, %swap3A_116] {strides = array<i32>} : memref<80x64xi32, #tpu.memory_space<vmem>>, vector<16xi32>,
        tpu.vector_store %arg10[%swap3A_115, %swap3A_116], %bitcast3A_114 {strides = array<i32>} : memref<80x64xi32, #tpu.memory_space<vmem>>, vector<16xi32>,
        %get3A_118 = arith.index_cast %scan3A_99 : i32 to index
        %get3A_119 = arith.constant 64 : index
        %get3A_120 = tpu.vector_load %arg9[%get3A_118, %get3A_119] {strides = array<i32>} : memref<80x128xf32, #tpu.memory_space<vmem>>, vector<16xf32>,
        %get3A_121 = arith.index_cast %scan3A_99 : i32 to index
        %get3A_122 = arith.constant 80 : index
        %get3A_123 = tpu.vector_load %arg9[%get3A_121, %get3A_122] {strides = array<i32>} : memref<80x128xf32, #tpu.memory_space<vmem>>, vector<16xf32>,
        %pack3A_124 = tpu.pack_subelements %get3A_120, %get3A_123 {pack_format = #tpu.pack_format<interleaved>, positions = array<i32: 0, 1>} : vector<16xf32>, vector<16xf32> -> vector<32xbf16>
        %bitcast3A_125 = vector.bitcast %pack3A_124 : vector<32xbf16> to vector<16xi32>
        %swap3A_126 = arith.index_cast %scan3A_99 : i32 to index
        %swap3A_127 = arith.constant 32 : index
        %swap3A_128 = tpu.vector_load %arg10[%swap3A_126, %swap3A_127] {strides = array<i32>} : memref<80x64xi32, #tpu.memory_space<vmem>>, vector<16xi32>,
        tpu.vector_store %arg10[%swap3A_126, %swap3A_127], %bitcast3A_125 {strides = array<i32>} : memref<80x64xi32, #tpu.memory_space<vmem>>, vector<16xi32>,
        %get3A_129 = arith.index_cast %scan3A_99 : i32 to index
        %get3A_130 = arith.constant 96 : index
        %get3A_131 = tpu.vector_load %arg9[%get3A_129, %get3A_130] {strides = array<i32>} : memref<80x128xf32, #tpu.memory_space<vmem>>, vector<16xf32>,
        %get3A_132 = arith.index_cast %scan3A_99 : i32 to index
        %get3A_133 = arith.constant 112 : index
        %get3A_134 = tpu.vector_load %arg9[%get3A_132, %get3A_133] {strides = array<i32>} : memref<80x128xf32, #tpu.memory_space<vmem>>, vector<16xf32>,
        %pack3A_135 = tpu.pack_subelements %get3A_131, %get3A_134 {pack_format = #tpu.pack_format<interleaved>, positions = array<i32: 0, 1>} : vector<16xf32>, vector<16xf32> -> vector<32xbf16>
        %bitcast3A_136 = vector.bitcast %pack3A_135 : vector<32xbf16> to vector<16xi32>
        %swap3A_137 = arith.index_cast %scan3A_99 : i32 to index
        %swap3A_138 = arith.constant 48 : index
        %swap3A_139 = tpu.vector_load %arg10[%swap3A_137, %swap3A_138] {strides = array<i32>} : memref<80x64xi32, #tpu.memory_space<vmem>>, vector<16xi32>,
        tpu.vector_store %arg10[%swap3A_137, %swap3A_138], %bitcast3A_136 {strides = array<i32>} : memref<80x64xi32, #tpu.memory_space<vmem>>, vector<16xi32>,
      }
      %scan3A_98 = arith.constant 80 : i32
      "tpu.region"() ({
        %run_scoped3A = tpu.sem_alloc : memref<!tpu.dma_semaphore, #tpu.memory_space<semaphore_mem>>
        %dma_start3A_99 = arith.constant 0 : i32
        %dma_start3A_100 = tpu.memref_slice %arg6[%add3A_92, %dma_start3A_99] : memref<10000x64xi32, #tpu.memory_space<vmem_shared>> -> memref<80x64xi32, #tpu.memory_space<vmem_shared>>
        %dma_start3A_101 = arith.constant 0 : i32
        %dma_start3A_102 = tpu.memref_slice %arg6[%add3A_92, %dma_start3A_101] : memref<10000x64xi32, #tpu.memory_space<vmem_shared>> -> memref<80x64xi32, #tpu.memory_space<vmem_shared>>
        tpu.enqueue_dma source(%arg10 : memref<80x64xi32, #tpu.memory_space<vmem>>) target(%dma_start3A_102 : memref<80x64xi32, #tpu.memory_space<vmem_shared>>) target_semaphore(%run_scoped3A : memref<!tpu.dma_semaphore, #tpu.memory_space<semaphore_mem>>)
        %dma_wait3A_103 = arith.constant 0 : i32
        %dma_wait3A_104 = tpu.memref_slice %arg6[%add3A_92, %dma_wait3A_103] : memref<10000x64xi32, #tpu.memory_space<vmem_shared>> -> memref<80x64xi32, #tpu.memory_space<vmem_shared>>
        %dma_wait3A_105 = arith.constant 0 : i32
        %dma_wait3A_106 = tpu.memref_slice %arg6[%add3A_92, %dma_wait3A_105] : memref<10000x64xi32, #tpu.memory_space<vmem_shared>> -> memref<80x64xi32, #tpu.memory_space<vmem_shared>>
        tpu.wait_dma2 semaphore(%run_scoped3A : memref<!tpu.dma_semaphore, #tpu.memory_space<semaphore_mem>>) src(%arg10 : memref<80x64xi32, #tpu.memory_space<vmem>>) dst(%dma_wait3A_106 : memref<80x64xi32, #tpu.memory_space<vmem_shared>>)
        tpu.yield
      }) : () -> ()
    }
    %while3A_15 = arith.constant 1 : i32
    scf.for %while3A_89 = %while3A_13 to %while3A_9 step %while3A_15  : i32 {
      %mul3A_90 = arith.constant 80 : i32
      %mul3A_91 = arith.muli %while3A_89, %mul3A_90 : i32
      %add3A_92 = arith.addi %mul3A_4, %mul3A_91 : i32
      "tpu.region"() ({
        %run_scoped3A = tpu.sem_alloc : memref<!tpu.dma_semaphore, #tpu.memory_space<semaphore_mem>>
        %dma_start3A_99 = arith.constant 0 : i32
        %dma_start3A_100 = tpu.memref_slice %arg2[%add3A_92, %dma_start3A_99] : memref<10000x128xf32, #tpu.memory_space<hbm>> -> memref<80x128xf32, #tpu.memory_space<hbm>>
        %dma_start3A_101 = arith.constant 0 : i32
        %dma_start3A_102 = tpu.memref_slice %arg2[%add3A_92, %dma_start3A_101] : memref<10000x128xf32, #tpu.memory_space<hbm>> -> memref<80x128xf32, #tpu.memory_space<hbm>>
        tpu.enqueue_dma source(%dma_start3A_102 : memref<80x128xf32, #tpu.memory_space<hbm>>) target(%arg9 : memref<80x128xf32, #tpu.memory_space<vmem>>) target_semaphore(%run_scoped3A : memref<!tpu.dma_semaphore, #tpu.memory_space<semaphore_mem>>)
        %dma_wait3A_103 = arith.constant 0 : i32
        %dma_wait3A_104 = tpu.memref_slice %arg2[%add3A_92, %dma_wait3A_103] : memref<10000x128xf32, #tpu.memory_space<hbm>> -> memref<80x128xf32, #tpu.memory_space<hbm>>
        %dma_wait3A_105 = arith.constant 0 : i32
        %dma_wait3A_106 = tpu.memref_slice %arg2[%add3A_92, %dma_wait3A_105] : memref<10000x128xf32, #tpu.memory_space<hbm>> -> memref<80x128xf32, #tpu.memory_space<hbm>>
        tpu.wait_dma2 semaphore(%run_scoped3A : memref<!tpu.dma_semaphore, #tpu.memory_space<semaphore_mem>>) src(%dma_wait3A_106 : memref<80x128xf32, #tpu.memory_space<hbm>>) dst(%arg9 : memref<80x128xf32, #tpu.memory_space<vmem>>)
        tpu.yield
      }) : () -> ()
      %scan3A_93 = arith.constant 0 : i32
      %scan3A_94 = arith.constant 0 : i32
      %scan3A_95 = arith.constant 80 : i32
      %scan3A_96 = arith.addi %scan3A_94, %scan3A_95 : i32
      %scan3A_97 = arith.constant 1 : i32
      scf.for %scan3A_99 = %scan3A_94 to %scan3A_96 step %scan3A_97  : i32 {
        %get3A = arith.index_cast %scan3A_99 : i32 to index
        %get3A_100 = arith.constant 0 : index
        %get3A_101 = tpu.vector_load %arg9[%get3A, %get3A_100] {strides = array<i32>} : memref<80x128xf32, #tpu.memory_space<vmem>>, vector<16xf32>,
        %get3A_102 = arith.index_cast %scan3A_99 : i32 to index
        %get3A_103 = arith.constant 16 : index
        %get3A_104 = tpu.vector_load %arg9[%get3A_102, %get3A_103] {strides = array<i32>} : memref<80x128xf32, #tpu.memory_space<vmem>>, vector<16xf32>,
        %pack3A = tpu.pack_subelements %get3A_101, %get3A_104 {pack_format = #tpu.pack_format<interleaved>, positions = array<i32: 0, 1>} : vector<16xf32>, vector<16xf32> -> vector<32xbf16>
        %bitcast3A = vector.bitcast %pack3A : vector<32xbf16> to vector<16xi32>
        %swap3A = arith.index_cast %scan3A_99 : i32 to index
        %swap3A_105 = arith.constant 0 : index
        %swap3A_106 = tpu.vector_load %arg10[%swap3A, %swap3A_105] {strides = array<i32>} : memref<80x64xi32, #tpu.memory_space<vmem>>, vector<16xi32>,
        tpu.vector_store %arg10[%swap3A, %swap3A_105], %bitcast3A {strides = array<i32>} : memref<80x64xi32, #tpu.memory_space<vmem>>, vector<16xi32>,
        %get3A_107 = arith.index_cast %scan3A_99 : i32 to index
        %get3A_108 = arith.constant 32 : index
        %get3A_109 = tpu.vector_load %arg9[%get3A_107, %get3A_108] {strides = array<i32>} : memref<80x128xf32, #tpu.memory_space<vmem>>, vector<16xf32>,
        %get3A_110 = arith.index_cast %scan3A_99 : i32 to index
        %get3A_111 = arith.constant 48 : index
        %get3A_112 = tpu.vector_load %arg9[%get3A_110, %get3A_111] {strides = array<i32>} : memref<80x128xf32, #tpu.memory_space<vmem>>, vector<16xf32>,
        %pack3A_113 = tpu.pack_subelements %get3A_109, %get3A_112 {pack_format = #tpu.pack_format<interleaved>, positions = array<i32: 0, 1>} : vector<16xf32>, vector<16xf32> -> vector<32xbf16>
        %bitcast3A_114 = vector.bitcast %pack3A_113 : vector<32xbf16> to vector<16xi32>
        %swap3A_115 = arith.index_cast %scan3A_99 : i32 to index
        %swap3A_116 = arith.constant 16 : index
        %swap3A_117 = tpu.vector_load %arg10[%swap3A_115, %swap3A_116] {strides = array<i32>} : memref<80x64xi32, #tpu.memory_space<vmem>>, vector<16xi32>,
        tpu.vector_store %arg10[%swap3A_115, %swap3A_116], %bitcast3A_114 {strides = array<i32>} : memref<80x64xi32, #tpu.memory_space<vmem>>, vector<16xi32>,
        %get3A_118 = arith.index_cast %scan3A_99 : i32 to index
        %get3A_119 = arith.constant 64 : index
        %get3A_120 = tpu.vector_load %arg9[%get3A_118, %get3A_119] {strides = array<i32>} : memref<80x128xf32, #tpu.memory_space<vmem>>, vector<16xf32>,
        %get3A_121 = arith.index_cast %scan3A_99 : i32 to index
        %get3A_122 = arith.constant 80 : index
        %get3A_123 = tpu.vector_load %arg9[%get3A_121, %get3A_122] {strides = array<i32>} : memref<80x128xf32, #tpu.memory_space<vmem>>, vector<16xf32>,
        %pack3A_124 = tpu.pack_subelements %get3A_120, %get3A_123 {pack_format = #tpu.pack_format<interleaved>, positions = array<i32: 0, 1>} : vector<16xf32>, vector<16xf32> -> vector<32xbf16>
        %bitcast3A_125 = vector.bitcast %pack3A_124 : vector<32xbf16> to vector<16xi32>
        %swap3A_126 = arith.index_cast %scan3A_99 : i32 to index
        %swap3A_127 = arith.constant 32 : index
        %swap3A_128 = tpu.vector_load %arg10[%swap3A_126, %swap3A_127] {strides = array<i32>} : memref<80x64xi32, #tpu.memory_space<vmem>>, vector<16xi32>,
        tpu.vector_store %arg10[%swap3A_126, %swap3A_127], %bitcast3A_125 {strides = array<i32>} : memref<80x64xi32, #tpu.memory_space<vmem>>, vector<16xi32>,
        %get3A_129 = arith.index_cast %scan3A_99 : i32 to index
        %get3A_130 = arith.constant 96 : index
        %get3A_131 = tpu.vector_load %arg9[%get3A_129, %get3A_130] {strides = array<i32>} : memref<80x128xf32, #tpu.memory_space<vmem>>, vector<16xf32>,
        %get3A_132 = arith.index_cast %scan3A_99 : i32 to index
        %get3A_133 = arith.constant 112 : index
        %get3A_134 = tpu.vector_load %arg9[%get3A_132, %get3A_133] {strides = array<i32>} : memref<80x128xf32, #tpu.memory_space<vmem>>, vector<16xf32>,
        %pack3A_135 = tpu.pack_subelements %get3A_131, %get3A_134 {pack_format = #tpu.pack_format<interleaved>, positions = array<i32: 0, 1>} : vector<16xf32>, vector<16xf32> -> vector<32xbf16>
        %bitcast3A_136 = vector.bitcast %pack3A_135 : vector<32xbf16> to vector<16xi32>
        %swap3A_137 = arith.index_cast %scan3A_99 : i32 to index
        %swap3A_138 = arith.constant 48 : index
        %swap3A_139 = tpu.vector_load %arg10[%swap3A_137, %swap3A_138] {strides = array<i32>} : memref<80x64xi32, #tpu.memory_space<vmem>>, vector<16xi32>,
        tpu.vector_store %arg10[%swap3A_137, %swap3A_138], %bitcast3A_136 {strides = array<i32>} : memref<80x64xi32, #tpu.memory_space<vmem>>, vector<16xi32>,
      }
      %scan3A_98 = arith.constant 80 : i32
      "tpu.region"() ({
        %run_scoped3A = tpu.sem_alloc : memref<!tpu.dma_semaphore, #tpu.memory_space<semaphore_mem>>
        %dma_start3A_99 = arith.constant 0 : i32
        %dma_start3A_100 = tpu.memref_slice %arg6[%add3A_92, %dma_start3A_99] : memref<10000x64xi32, #tpu.memory_space<vmem_shared>> -> memref<80x64xi32, #tpu.memory_space<vmem_shared>>
        %dma_start3A_101 = arith.constant 0 : i32
        %dma_start3A_102 = tpu.memref_slice %arg6[%add3A_92, %dma_start3A_101] : memref<10000x64xi32, #tpu.memory_space<vmem_shared>> -> memref<80x64xi32, #tpu.memory_space<vmem_shared>>
        tpu.enqueue_dma source(%arg10 : memref<80x64xi32, #tpu.memory_space<vmem>>) target(%dma_start3A_102 : memref<80x64xi32, #tpu.memory_space<vmem_shared>>) target_semaphore(%run_scoped3A : memref<!tpu.dma_semaphore, #tpu.memory_space<semaphore_mem>>)
        %dma_wait3A_103 = arith.constant 0 : i32
        %dma_wait3A_104 = tpu.memref_slice %arg6[%add3A_92, %dma_wait3A_103] : memref<10000x64xi32, #tpu.memory_space<vmem_shared>> -> memref<80x64xi32, #tpu.memory_space<vmem_shared>>
        %dma_wait3A_105 = arith.constant 0 : i32
        %dma_wait3A_106 = tpu.memref_slice %arg6[%add3A_92, %dma_wait3A_105] : memref<10000x64xi32, #tpu.memory_space<vmem_shared>> -> memref<80x64xi32, #tpu.memory_space<vmem_shared>>
        tpu.wait_dma2 semaphore(%run_scoped3A : memref<!tpu.dma_semaphore, #tpu.memory_space<semaphore_mem>>) src(%arg10 : memref<80x64xi32, #tpu.memory_space<vmem>>) dst(%dma_wait3A_106 : memref<80x64xi32, #tpu.memory_space<vmem_shared>>)
        tpu.yield
      }) : () -> ()
    }
    %barrier3A = arith.constant 0 : index
    tpu.barrier barrier_id(%barrier3A)
    "tpu.region"() ({
      %run_scoped3A = tpu.sem_alloc : memref<!tpu.dma_semaphore, #tpu.memory_space<semaphore_mem>>
      %dma_start3A_89 = tpu.memref_slice %arg3[%mul3A_2] : memref<320000xi32, #tpu.memory_space<hbm>> -> memref<10000xi32, #tpu.memory_space<hbm>>
      %dma_start3A_90 = tpu.memref_slice %arg3[%mul3A_2] : memref<320000xi32, #tpu.memory_space<hbm>> -> memref<10000xi32, #tpu.memory_space<hbm>>
      tpu.enqueue_dma source(%dma_start3A_90 : memref<10000xi32, #tpu.memory_space<hbm>>) target(%arg7 : memref<10000xi32, #tpu.memory_space<vmem>>) target_semaphore(%run_scoped3A : memref<!tpu.dma_semaphore, #tpu.memory_space<semaphore_mem>>)
      %dma_wait3A_91 = tpu.memref_slice %arg3[%mul3A_2] : memref<320000xi32, #tpu.memory_space<hbm>> -> memref<10000xi32, #tpu.memory_space<hbm>>
      %dma_wait3A_92 = tpu.memref_slice %arg3[%mul3A_2] : memref<320000xi32, #tpu.memory_space<hbm>> -> memref<10000xi32, #tpu.memory_space<hbm>>
      tpu.wait_dma2 semaphore(%run_scoped3A : memref<!tpu.dma_semaphore, #tpu.memory_space<semaphore_mem>>) src(%dma_wait3A_92 : memref<10000xi32, #tpu.memory_space<hbm>>) dst(%arg7 : memref<10000xi32, #tpu.memory_space<vmem>>)
      tpu.yield
    }) : () -> ()
    "tpu.region"() ({
      %run_scoped3A = tpu.sem_alloc : memref<!tpu.dma_semaphore, #tpu.memory_space<semaphore_mem>>
      %dma_start3A_89 = tpu.memref_slice %arg4[%mul3A_2] : memref<320000xi32, #tpu.memory_space<hbm>> -> memref<10000xi32, #tpu.memory_space<hbm>>
      %dma_start3A_90 = tpu.memref_slice %arg4[%mul3A_2] : memref<320000xi32, #tpu.memory_space<hbm>> -> memref<10000xi32, #tpu.memory_space<hbm>>
      tpu.enqueue_dma source(%dma_start3A_90 : memref<10000xi32, #tpu.memory_space<hbm>>) target(%arg8 : memref<10000xi32, #tpu.memory_space<vmem>>) target_semaphore(%run_scoped3A : memref<!tpu.dma_semaphore, #tpu.memory_space<semaphore_mem>>)
      %dma_wait3A_91 = tpu.memref_slice %arg4[%mul3A_2] : memref<320000xi32, #tpu.memory_space<hbm>> -> memref<10000xi32, #tpu.memory_space<hbm>>
      %dma_wait3A_92 = tpu.memref_slice %arg4[%mul3A_2] : memref<320000xi32, #tpu.memory_space<hbm>> -> memref<10000xi32, #tpu.memory_space<hbm>>
      tpu.wait_dma2 semaphore(%run_scoped3A : memref<!tpu.dma_semaphore, #tpu.memory_space<semaphore_mem>>) src(%dma_wait3A_92 : memref<10000xi32, #tpu.memory_space<hbm>>) dst(%arg8 : memref<10000xi32, #tpu.memory_space<vmem>>)
      tpu.yield
    }) : () -> ()
    %dma_start3A = arith.constant 0 : i32
    %dma_start3A_16 = tpu.memref_slice %arg7[%dma_start3A] : memref<10000xi32, #tpu.memory_space<vmem>> -> memref<80xi32, #tpu.memory_space<vmem>>
    %dma_start3A_17 = arith.constant 0 : i32
    %dma_start3A_18 = arith.constant 0 : i32
    %dma_start3A_19 = tpu.memref_slice %arg6[%dma_start3A_17, %dma_start3A_18] : memref<10000x64xi32, #tpu.memory_space<vmem_shared>> -> memref<10000x64xi32, #tpu.memory_space<vmem_shared>>
    tpu.enqueue_indirect_dma source(%dma_start3A_19 : memref<10000x64xi32, #tpu.memory_space<vmem_shared>>) target(%arg11 : memref<80x64xi32, #tpu.memory_space<vmem>>) offsets(%dma_start3A_16 : memref<80xi32, #tpu.memory_space<vmem>>) semaphore(%arg26 : memref<!tpu.dma_semaphore, #tpu.memory_space<semaphore_mem>>)
    %dma_start3A_20 = arith.constant 0 : i32
    %dma_start3A_21 = tpu.memref_slice %arg8[%dma_start3A_20] : memref<10000xi32, #tpu.memory_space<vmem>> -> memref<80xi32, #tpu.memory_space<vmem>>
    %dma_start3A_22 = arith.constant 0 : i32
    %dma_start3A_23 = arith.constant 0 : i32
    %dma_start3A_24 = tpu.memref_slice %arg6[%dma_start3A_22, %dma_start3A_23] : memref<10000x64xi32, #tpu.memory_space<vmem_shared>> -> memref<10000x64xi32, #tpu.memory_space<vmem_shared>>
    tpu.enqueue_indirect_dma source(%dma_start3A_24 : memref<10000x64xi32, #tpu.memory_space<vmem_shared>>) target(%arg16 : memref<80x64xi32, #tpu.memory_space<vmem>>) offsets(%dma_start3A_21 : memref<80xi32, #tpu.memory_space<vmem>>) semaphore(%arg26 : memref<!tpu.dma_semaphore, #tpu.memory_space<semaphore_mem>>)
    %dma_start3A_25 = arith.constant 80 : i32
    %dma_start3A_26 = tpu.memref_slice %arg7[%dma_start3A_25] : memref<10000xi32, #tpu.memory_space<vmem>> -> memref<80xi32, #tpu.memory_space<vmem>>
    %dma_start3A_27 = arith.constant 0 : i32
    %dma_start3A_28 = arith.constant 0 : i32
    %dma_start3A_29 = tpu.memref_slice %arg6[%dma_start3A_27, %dma_start3A_28] : memref<10000x64xi32, #tpu.memory_space<vmem_shared>> -> memref<10000x64xi32, #tpu.memory_space<vmem_shared>>
    tpu.enqueue_indirect_dma source(%dma_start3A_29 : memref<10000x64xi32, #tpu.memory_space<vmem_shared>>) target(%arg12 : memref<80x64xi32, #tpu.memory_space<vmem>>) offsets(%dma_start3A_26 : memref<80xi32, #tpu.memory_space<vmem>>) semaphore(%arg27 : memref<!tpu.dma_semaphore, #tpu.memory_space<semaphore_mem>>)
    %dma_start3A_30 = arith.constant 80 : i32
    %dma_start3A_31 = tpu.memref_slice %arg8[%dma_start3A_30] : memref<10000xi32, #tpu.memory_space<vmem>> -> memref<80xi32, #tpu.memory_space<vmem>>
    %dma_start3A_32 = arith.constant 0 : i32
    %dma_start3A_33 = arith.constant 0 : i32
    %dma_start3A_34 = tpu.memref_slice %arg6[%dma_start3A_32, %dma_start3A_33] : memref<10000x64xi32, #tpu.memory_space<vmem_shared>> -> memref<10000x64xi32, #tpu.memory_space<vmem_shared>>
    tpu.enqueue_indirect_dma source(%dma_start3A_34 : memref<10000x64xi32, #tpu.memory_space<vmem_shared>>) target(%arg17 : memref<80x64xi32, #tpu.memory_space<vmem>>) offsets(%dma_start3A_31 : memref<80xi32, #tpu.memory_space<vmem>>) semaphore(%arg27 : memref<!tpu.dma_semaphore, #tpu.memory_space<semaphore_mem>>)
    %dma_start3A_35 = arith.constant 160 : i32
    %dma_start3A_36 = tpu.memref_slice %arg7[%dma_start3A_35] : memref<10000xi32, #tpu.memory_space<vmem>> -> memref<80xi32, #tpu.memory_space<vmem>>
    %dma_start3A_37 = arith.constant 0 : i32
    %dma_start3A_38 = arith.constant 0 : i32
    %dma_start3A_39 = tpu.memref_slice %arg6[%dma_start3A_37, %dma_start3A_38] : memref<10000x64xi32, #tpu.memory_space<vmem_shared>> -> memref<10000x64xi32, #tpu.memory_space<vmem_shared>>
    tpu.enqueue_indirect_dma source(%dma_start3A_39 : memref<10000x64xi32, #tpu.memory_space<vmem_shared>>) target(%arg13 : memref<80x64xi32, #tpu.memory_space<vmem>>) offsets(%dma_start3A_36 : memref<80xi32, #tpu.memory_space<vmem>>) semaphore(%arg28 : memref<!tpu.dma_semaphore, #tpu.memory_space<semaphore_mem>>)
    %dma_start3A_40 = arith.constant 160 : i32
    %dma_start3A_41 = tpu.memref_slice %arg8[%dma_start3A_40] : memref<10000xi32, #tpu.memory_space<vmem>> -> memref<80xi32, #tpu.memory_space<vmem>>
    %dma_start3A_42 = arith.constant 0 : i32
    %dma_start3A_43 = arith.constant 0 : i32
    %dma_start3A_44 = tpu.memref_slice %arg6[%dma_start3A_42, %dma_start3A_43] : memref<10000x64xi32, #tpu.memory_space<vmem_shared>> -> memref<10000x64xi32, #tpu.memory_space<vmem_shared>>
    tpu.enqueue_indirect_dma source(%dma_start3A_44 : memref<10000x64xi32, #tpu.memory_space<vmem_shared>>) target(%arg18 : memref<80x64xi32, #tpu.memory_space<vmem>>) offsets(%dma_start3A_41 : memref<80xi32, #tpu.memory_space<vmem>>) semaphore(%arg28 : memref<!tpu.dma_semaphore, #tpu.memory_space<semaphore_mem>>)
    %dma_start3A_45 = arith.constant 240 : i32
    %dma_start3A_46 = tpu.memref_slice %arg7[%dma_start3A_45] : memref<10000xi32, #tpu.memory_space<vmem>> -> memref<80xi32, #tpu.memory_space<vmem>>
    %dma_start3A_47 = arith.constant 0 : i32
    %dma_start3A_48 = arith.constant 0 : i32
    %dma_start3A_49 = tpu.memref_slice %arg6[%dma_start3A_47, %dma_start3A_48] : memref<10000x64xi32, #tpu.memory_space<vmem_shared>> -> memref<10000x64xi32, #tpu.memory_space<vmem_shared>>
    tpu.enqueue_indirect_dma source(%dma_start3A_49 : memref<10000x64xi32, #tpu.memory_space<vmem_shared>>) target(%arg14 : memref<80x64xi32, #tpu.memory_space<vmem>>) offsets(%dma_start3A_46 : memref<80xi32, #tpu.memory_space<vmem>>) semaphore(%arg29 : memref<!tpu.dma_semaphore, #tpu.memory_space<semaphore_mem>>)
    %dma_start3A_50 = arith.constant 240 : i32
    %dma_start3A_51 = tpu.memref_slice %arg8[%dma_start3A_50] : memref<10000xi32, #tpu.memory_space<vmem>> -> memref<80xi32, #tpu.memory_space<vmem>>
    %dma_start3A_52 = arith.constant 0 : i32
    %dma_start3A_53 = arith.constant 0 : i32
    %dma_start3A_54 = tpu.memref_slice %arg6[%dma_start3A_52, %dma_start3A_53] : memref<10000x64xi32, #tpu.memory_space<vmem_shared>> -> memref<10000x64xi32, #tpu.memory_space<vmem_shared>>
    tpu.enqueue_indirect_dma source(%dma_start3A_54 : memref<10000x64xi32, #tpu.memory_space<vmem_shared>>) target(%arg19 : memref<80x64xi32, #tpu.memory_space<vmem>>) offsets(%dma_start3A_51 : memref<80xi32, #tpu.memory_space<vmem>>) semaphore(%arg29 : memref<!tpu.dma_semaphore, #tpu.memory_space<semaphore_mem>>)
    %dma_start3A_55 = arith.constant 320 : i32
    %dma_start3A_56 = tpu.memref_slice %arg7[%dma_start3A_55] : memref<10000xi32, #tpu.memory_space<vmem>> -> memref<80xi32, #tpu.memory_space<vmem>>
    %dma_start3A_57 = arith.constant 0 : i32
    %dma_start3A_58 = arith.constant 0 : i32
    %dma_start3A_59 = tpu.memref_slice %arg6[%dma_start3A_57, %dma_start3A_58] : memref<10000x64xi32, #tpu.memory_space<vmem_shared>> -> memref<10000x64xi32, #tpu.memory_space<vmem_shared>>
    tpu.enqueue_indirect_dma source(%dma_start3A_59 : memref<10000x64xi32, #tpu.memory_space<vmem_shared>>) target(%arg15 : memref<80x64xi32, #tpu.memory_space<vmem>>) offsets(%dma_start3A_56 : memref<80xi32, #tpu.memory_space<vmem>>) semaphore(%arg30 : memref<!tpu.dma_semaphore, #tpu.memory_space<semaphore_mem>>)
    %dma_start3A_60 = arith.constant 320 : i32
    %dma_start3A_61 = tpu.memref_slice %arg8[%dma_start3A_60] : memref<10000xi32, #tpu.memory_space<vmem>> -> memref<80xi32, #tpu.memory_space<vmem>>
    %dma_start3A_62 = arith.constant 0 : i32
    %dma_start3A_63 = arith.constant 0 : i32
    %dma_start3A_64 = tpu.memref_slice %arg6[%dma_start3A_62, %dma_start3A_63] : memref<10000x64xi32, #tpu.memory_space<vmem_shared>> -> memref<10000x64xi32, #tpu.memory_space<vmem_shared>>
    tpu.enqueue_indirect_dma source(%dma_start3A_64 : memref<10000x64xi32, #tpu.memory_space<vmem_shared>>) target(%arg20 : memref<80x64xi32, #tpu.memory_space<vmem>>) offsets(%dma_start3A_61 : memref<80xi32, #tpu.memory_space<vmem>>) semaphore(%arg30 : memref<!tpu.dma_semaphore, #tpu.memory_space<semaphore_mem>>)
    %scan3A = arith.constant 0 : i32
    %scan3A_65 = arith.constant 0 : i32
    %scan3A_66 = arith.constant 25 : i32
    %scan3A_67 = arith.addi %scan3A_65, %scan3A_66 : i32
    %scan3A_68 = arith.constant 1 : i32
    scf.for %scan3A_89 = %scan3A_65 to %scan3A_67 step %scan3A_68  : i32 {
      %mul3A_90 = arith.constant 5 : i32
      %mul3A_91 = arith.muli %scan3A_89, %mul3A_90 : i32
      %add3A_92 = arith.constant 0 : i32
      %add3A_93 = arith.addi %mul3A_91, %add3A_92 : i32
      %dma_wait3A_94 = arith.constant 0 : i32
      %dma_wait3A_95 = arith.constant 0 : i32
      %dma_wait3A_96 = tpu.memref_slice %arg2[%dma_wait3A_94, %dma_wait3A_95] : memref<10000x128xf32, #tpu.memory_space<hbm>> -> memref<80x128xf32, #tpu.memory_space<hbm>>
      %dma_wait3A_97 = arith.constant 0 : i32
      %dma_wait3A_98 = arith.constant 0 : i32
      %dma_wait3A_99 = tpu.memref_slice %arg2[%dma_wait3A_97, %dma_wait3A_98] : memref<10000x128xf32, #tpu.memory_space<hbm>> -> memref<80x128xf32, #tpu.memory_space<hbm>>
      tpu.wait_dma2 semaphore(%arg26 : memref<!tpu.dma_semaphore, #tpu.memory_space<semaphore_mem>>) src(%dma_wait3A_99 : memref<80x128xf32, #tpu.memory_space<hbm>>) dst(%arg9 : memref<80x128xf32, #tpu.memory_space<vmem>>)
      %ge3A = arith.constant 5 : i32
      %ge3A_100 = arith.cmpi sge, %add3A_93, %ge3A : i32
      %convert_element_type3A = arith.extui %ge3A_100 : i1 to i32
      %cond3A = arith.constant 0 : i32
      %cond3A_101 = arith.cmpi ne, %convert_element_type3A, %cond3A : i32
      scf.if %cond3A_101 {
        %dma_wait3A_252 = arith.constant 0 : i32
        %dma_wait3A_253 = tpu.memref_slice %arg5[%dma_wait3A_252] : memref<320000xf32, #tpu.memory_space<hbm>> -> memref<80xf32, #tpu.memory_space<hbm>>
        %dma_wait3A_254 = arith.constant 0 : i32
        %dma_wait3A_255 = tpu.memref_slice %arg5[%dma_wait3A_254] : memref<320000xf32, #tpu.memory_space<hbm>> -> memref<80xf32, #tpu.memory_space<hbm>>
        tpu.wait_dma2 semaphore(%arg31 : memref<!tpu.dma_semaphore, #tpu.memory_space<semaphore_mem>>) src(%arg21 : memref<80xf32, #tpu.memory_space<vmem>>) dst(%dma_wait3A_255 : memref<80xf32, #tpu.memory_space<hbm>>)
      } else {
      }
      %scan3A_102 = arith.constant 0 : i32
      %scan3A_103 = arith.constant 0 : i32
      %scan3A_104 = arith.constant 5 : i32
      %scan3A_105 = arith.addi %scan3A_103, %scan3A_104 : i32
      %scan3A_106 = arith.constant 1 : i32
      scf.for %scan3A_252 = %scan3A_103 to %scan3A_105 step %scan3A_106  : i32 {
        %mul3A_253 = arith.constant 16 : i32
        %mul3A_254 = arith.muli %scan3A_252, %mul3A_253 : i32
        %broadcast_in_dim3A = vector.broadcast %mul3A_254 : i32 to vector<16xi32>
        %add3A_255 = arith.addi %broadcast_in_dim3A, %iota3A : vector<16xi32>
        %broadcast_in_dim3A_256 = arith.constant 0.000000e+00 : f32
        %broadcast_in_dim3A_257 = vector.broadcast %broadcast_in_dim3A_256 : f32 to vector<16xf32>
        %scan3A_258 = arith.constant 0 : i32
        %scan3A_259 = arith.constant 32 : i32
        %scan3A_260 = arith.addi %scan3A_258, %scan3A_259 : i32
        %scan3A_261 = arith.constant 1 : i32
        %scan3A_262 = scf.for %scan3A_267 = %scan3A_258 to %scan3A_260 step %scan3A_261 iter_args(%scan3A_268 = %broadcast_in_dim3A_257) -> (vector<16xf32>)  : i32 {
          %mul3A_269 = arith.constant 2 : i32
          %mul3A_270 = arith.muli %scan3A_267, %mul3A_269 : i32
          %add3A_271 = arith.constant 0 : i32
          %add3A_272 = arith.addi %mul3A_270, %add3A_271 : i32
          %add3A_273 = vector.broadcast %add3A_272 : i32 to vector<16xi32>
          %add3A_274 = arith.addi %iota3A, %add3A_273 : vector<16xi32>
          %and3A = arith.constant 63 : i32
          %and3A_275 = vector.broadcast %and3A : i32 to vector<16xi32>
          %and3A_276 = arith.andi %add3A_274, %and3A_275 : vector<16xi32>
          %gather3A = tpu.vector_load_idx %arg11[%add3A_255, %and3A_276] : memref<80x64xi32, #tpu.memory_space<vmem>>[vector<16xi32>, vector<16xi32>], vector<16xi32>,
          %gather3A_277 = tpu.vector_load_idx %arg16[%add3A_255, %and3A_276] : memref<80x64xi32, #tpu.memory_space<vmem>>[vector<16xi32>, vector<16xi32>], vector<16xi32>,
          %bitcast3A = vector.bitcast %gather3A : vector<16xi32> to vector<32xbf16>
          %bitcast3A_278 = vector.bitcast %gather3A_277 : vector<16xi32> to vector<32xbf16>
          %mul3A_279 = arith.mulf %bitcast3A, %bitcast3A_278 : vector<32xbf16>
          %unpack3A = tpu.unpack_subelements %mul3A_279, 0 {pack_format = #tpu.pack_format<interleaved>} : vector<32xbf16> -> vector<16xf32>
          %unpack3A_280 = tpu.unpack_subelements %mul3A_279, 1 {pack_format = #tpu.pack_format<interleaved>} : vector<32xbf16> -> vector<16xf32>
          %add3A_281 = arith.addf %unpack3A, %unpack3A_280 : vector<16xf32>
          %add3A_282 = arith.constant 1 : i32
          %add3A_283 = arith.addi %mul3A_270, %add3A_282 : i32
          %add3A_284 = vector.broadcast %add3A_283 : i32 to vector<16xi32>
          %add3A_285 = arith.addi %iota3A, %add3A_284 : vector<16xi32>
          %and3A_286 = arith.constant 63 : i32
          %and3A_287 = vector.broadcast %and3A_286 : i32 to vector<16xi32>
          %and3A_288 = arith.andi %add3A_285, %and3A_287 : vector<16xi32>
          %gather3A_289 = tpu.vector_load_idx %arg11[%add3A_255, %and3A_288] : memref<80x64xi32, #tpu.memory_space<vmem>>[vector<16xi32>, vector<16xi32>], vector<16xi32>,
          %gather3A_290 = tpu.vector_load_idx %arg16[%add3A_255, %and3A_288] : memref<80x64xi32, #tpu.memory_space<vmem>>[vector<16xi32>, vector<16xi32>], vector<16xi32>,
          %bitcast3A_291 = vector.bitcast %gather3A_289 : vector<16xi32> to vector<32xbf16>
          %bitcast3A_292 = vector.bitcast %gather3A_290 : vector<16xi32> to vector<32xbf16>
          %mul3A_293 = arith.mulf %bitcast3A_291, %bitcast3A_292 : vector<32xbf16>
          %unpack3A_294 = tpu.unpack_subelements %mul3A_293, 0 {pack_format = #tpu.pack_format<interleaved>} : vector<32xbf16> -> vector<16xf32>
          %unpack3A_295 = tpu.unpack_subelements %mul3A_293, 1 {pack_format = #tpu.pack_format<interleaved>} : vector<32xbf16> -> vector<16xf32>
          %add3A_296 = arith.addf %unpack3A_294, %unpack3A_295 : vector<16xf32>
          %add3A_297 = arith.addf %add3A_281, %add3A_296 : vector<16xf32>
          %add3A_298 = arith.addf %scan3A_268, %add3A_297 : vector<16xf32>
          scf.yield %add3A_298 : vector<16xf32>
        }
        %scan3A_263 = arith.constant 32 : i32
        %mul3A_264 = arith.constant 16 : i32
        %mul3A_265 = arith.muli %scan3A_252, %mul3A_264 : i32
        %swap3A = arith.index_cast %mul3A_265 : i32 to index
        %swap3A_266 = tpu.vector_load %arg21[%swap3A] {strides = array<i32>} : memref<80xf32, #tpu.memory_space<vmem>>, vector<16xf32>,
        tpu.vector_store %arg21[%swap3A], %scan3A_262 {strides = array<i32>} : memref<80xf32, #tpu.memory_space<vmem>>, vector<16xf32>,
      }
      %scan3A_107 = arith.constant 5 : i32
      %mul3A_108 = arith.constant 80 : i32
      %mul3A_109 = arith.muli %add3A_93, %mul3A_108 : i32
      %add3A_110 = arith.addi %mul3A_2, %mul3A_109 : i32
      %dma_start3A_111 = tpu.memref_slice %arg5[%add3A_110] : memref<320000xf32, #tpu.memory_space<hbm>> -> memref<80xf32, #tpu.memory_space<hbm>>
      %dma_start3A_112 = tpu.memref_slice %arg5[%add3A_110] : memref<320000xf32, #tpu.memory_space<hbm>> -> memref<80xf32, #tpu.memory_space<hbm>>
      tpu.enqueue_dma source(%arg21 : memref<80xf32, #tpu.memory_space<vmem>>) target(%dma_start3A_112 : memref<80xf32, #tpu.memory_space<hbm>>) target_semaphore(%arg31 : memref<!tpu.dma_semaphore, #tpu.memory_space<semaphore_mem>>)
      %add3A_113 = arith.constant 5 : i32
      %add3A_114 = arith.addi %add3A_93, %add3A_113 : i32
      %lt3A_115 = arith.constant 125 : i32
      %lt3A_116 = arith.cmpi slt, %add3A_114, %lt3A_115 : i32
      %convert_element_type3A_117 = arith.extui %lt3A_116 : i1 to i32
      %cond3A_118 = arith.constant 0 : i32
      %cond3A_119 = arith.cmpi ne, %convert_element_type3A_117, %cond3A_118 : i32
      scf.if %cond3A_119 {
        %add3A_252 = arith.constant 5 : i32
        %add3A_253 = arith.addi %add3A_93, %add3A_252 : i32
        %mul3A_254 = arith.constant 80 : i32
        %mul3A_255 = arith.muli %add3A_253, %mul3A_254 : i32
        %dma_start3A_256 = tpu.memref_slice %arg7[%mul3A_255] : memref<10000xi32, #tpu.memory_space<vmem>> -> memref<80xi32, #tpu.memory_space<vmem>>
        %dma_start3A_257 = arith.constant 0 : i32
        %dma_start3A_258 = arith.constant 0 : i32
        %dma_start3A_259 = tpu.memref_slice %arg6[%dma_start3A_257, %dma_start3A_258] : memref<10000x64xi32, #tpu.memory_space<vmem_shared>> -> memref<10000x64xi32, #tpu.memory_space<vmem_shared>>
        tpu.enqueue_indirect_dma source(%dma_start3A_259 : memref<10000x64xi32, #tpu.memory_space<vmem_shared>>) target(%arg11 : memref<80x64xi32, #tpu.memory_space<vmem>>) offsets(%dma_start3A_256 : memref<80xi32, #tpu.memory_space<vmem>>) semaphore(%arg26 : memref<!tpu.dma_semaphore, #tpu.memory_space<semaphore_mem>>)
        %dma_start3A_260 = tpu.memref_slice %arg8[%mul3A_255] : memref<10000xi32, #tpu.memory_space<vmem>> -> memref<80xi32, #tpu.memory_space<vmem>>
        %dma_start3A_261 = arith.constant 0 : i32
        %dma_start3A_262 = arith.constant 0 : i32
        %dma_start3A_263 = tpu.memref_slice %arg6[%dma_start3A_261, %dma_start3A_262] : memref<10000x64xi32, #tpu.memory_space<vmem_shared>> -> memref<10000x64xi32, #tpu.memory_space<vmem_shared>>
        tpu.enqueue_indirect_dma source(%dma_start3A_263 : memref<10000x64xi32, #tpu.memory_space<vmem_shared>>) target(%arg16 : memref<80x64xi32, #tpu.memory_space<vmem>>) offsets(%dma_start3A_260 : memref<80xi32, #tpu.memory_space<vmem>>) semaphore(%arg26 : memref<!tpu.dma_semaphore, #tpu.memory_space<semaphore_mem>>)
      } else {
      }
      %mul3A_120 = arith.constant 5 : i32
      %mul3A_121 = arith.muli %scan3A_89, %mul3A_120 : i32
      %add3A_122 = arith.constant 1 : i32
      %add3A_123 = arith.addi %mul3A_121, %add3A_122 : i32
      %dma_wait3A_124 = arith.constant 0 : i32
      %dma_wait3A_125 = arith.constant 0 : i32
      %dma_wait3A_126 = tpu.memref_slice %arg2[%dma_wait3A_124, %dma_wait3A_125] : memref<10000x128xf32, #tpu.memory_space<hbm>> -> memref<80x128xf32, #tpu.memory_space<hbm>>
      %dma_wait3A_127 = arith.constant 0 : i32
      %dma_wait3A_128 = arith.constant 0 : i32
      %dma_wait3A_129 = tpu.memref_slice %arg2[%dma_wait3A_127, %dma_wait3A_128] : memref<10000x128xf32, #tpu.memory_space<hbm>> -> memref<80x128xf32, #tpu.memory_space<hbm>>
      tpu.wait_dma2 semaphore(%arg27 : memref<!tpu.dma_semaphore, #tpu.memory_space<semaphore_mem>>) src(%dma_wait3A_129 : memref<80x128xf32, #tpu.memory_space<hbm>>) dst(%arg9 : memref<80x128xf32, #tpu.memory_space<vmem>>)
      %ge3A_130 = arith.constant 5 : i32
      %ge3A_131 = arith.cmpi sge, %add3A_123, %ge3A_130 : i32
      %convert_element_type3A_132 = arith.extui %ge3A_131 : i1 to i32
      %cond3A_133 = arith.constant 0 : i32
      %cond3A_134 = arith.cmpi ne, %convert_element_type3A_132, %cond3A_133 : i32
      scf.if %cond3A_134 {
        %dma_wait3A_252 = arith.constant 0 : i32
        %dma_wait3A_253 = tpu.memref_slice %arg5[%dma_wait3A_252] : memref<320000xf32, #tpu.memory_space<hbm>> -> memref<80xf32, #tpu.memory_space<hbm>>
        %dma_wait3A_254 = arith.constant 0 : i32
        %dma_wait3A_255 = tpu.memref_slice %arg5[%dma_wait3A_254] : memref<320000xf32, #tpu.memory_space<hbm>> -> memref<80xf32, #tpu.memory_space<hbm>>
        tpu.wait_dma2 semaphore(%arg32 : memref<!tpu.dma_semaphore, #tpu.memory_space<semaphore_mem>>) src(%arg22 : memref<80xf32, #tpu.memory_space<vmem>>) dst(%dma_wait3A_255 : memref<80xf32, #tpu.memory_space<hbm>>)
      } else {
      }
      %scan3A_135 = arith.constant 0 : i32
      %scan3A_136 = arith.constant 0 : i32
      %scan3A_137 = arith.constant 5 : i32
      %scan3A_138 = arith.addi %scan3A_136, %scan3A_137 : i32
      %scan3A_139 = arith.constant 1 : i32
      scf.for %scan3A_252 = %scan3A_136 to %scan3A_138 step %scan3A_139  : i32 {
        %mul3A_253 = arith.constant 16 : i32
        %mul3A_254 = arith.muli %scan3A_252, %mul3A_253 : i32
        %broadcast_in_dim3A = vector.broadcast %mul3A_254 : i32 to vector<16xi32>
        %add3A_255 = arith.addi %broadcast_in_dim3A, %iota3A : vector<16xi32>
        %broadcast_in_dim3A_256 = arith.constant 0.000000e+00 : f32
        %broadcast_in_dim3A_257 = vector.broadcast %broadcast_in_dim3A_256 : f32 to vector<16xf32>
        %scan3A_258 = arith.constant 0 : i32
        %scan3A_259 = arith.constant 32 : i32
        %scan3A_260 = arith.addi %scan3A_258, %scan3A_259 : i32
        %scan3A_261 = arith.constant 1 : i32
        %scan3A_262 = scf.for %scan3A_267 = %scan3A_258 to %scan3A_260 step %scan3A_261 iter_args(%scan3A_268 = %broadcast_in_dim3A_257) -> (vector<16xf32>)  : i32 {
          %mul3A_269 = arith.constant 2 : i32
          %mul3A_270 = arith.muli %scan3A_267, %mul3A_269 : i32
          %add3A_271 = arith.constant 0 : i32
          %add3A_272 = arith.addi %mul3A_270, %add3A_271 : i32
          %add3A_273 = vector.broadcast %add3A_272 : i32 to vector<16xi32>
          %add3A_274 = arith.addi %iota3A, %add3A_273 : vector<16xi32>
          %and3A = arith.constant 63 : i32
          %and3A_275 = vector.broadcast %and3A : i32 to vector<16xi32>
          %and3A_276 = arith.andi %add3A_274, %and3A_275 : vector<16xi32>
          %gather3A = tpu.vector_load_idx %arg12[%add3A_255, %and3A_276] : memref<80x64xi32, #tpu.memory_space<vmem>>[vector<16xi32>, vector<16xi32>], vector<16xi32>,
          %gather3A_277 = tpu.vector_load_idx %arg17[%add3A_255, %and3A_276] : memref<80x64xi32, #tpu.memory_space<vmem>>[vector<16xi32>, vector<16xi32>], vector<16xi32>,
          %bitcast3A = vector.bitcast %gather3A : vector<16xi32> to vector<32xbf16>
          %bitcast3A_278 = vector.bitcast %gather3A_277 : vector<16xi32> to vector<32xbf16>
          %mul3A_279 = arith.mulf %bitcast3A, %bitcast3A_278 : vector<32xbf16>
          %unpack3A = tpu.unpack_subelements %mul3A_279, 0 {pack_format = #tpu.pack_format<interleaved>} : vector<32xbf16> -> vector<16xf32>
          %unpack3A_280 = tpu.unpack_subelements %mul3A_279, 1 {pack_format = #tpu.pack_format<interleaved>} : vector<32xbf16> -> vector<16xf32>
          %add3A_281 = arith.addf %unpack3A, %unpack3A_280 : vector<16xf32>
          %add3A_282 = arith.constant 1 : i32
          %add3A_283 = arith.addi %mul3A_270, %add3A_282 : i32
          %add3A_284 = vector.broadcast %add3A_283 : i32 to vector<16xi32>
          %add3A_285 = arith.addi %iota3A, %add3A_284 : vector<16xi32>
          %and3A_286 = arith.constant 63 : i32
          %and3A_287 = vector.broadcast %and3A_286 : i32 to vector<16xi32>
          %and3A_288 = arith.andi %add3A_285, %and3A_287 : vector<16xi32>
          %gather3A_289 = tpu.vector_load_idx %arg12[%add3A_255, %and3A_288] : memref<80x64xi32, #tpu.memory_space<vmem>>[vector<16xi32>, vector<16xi32>], vector<16xi32>,
          %gather3A_290 = tpu.vector_load_idx %arg17[%add3A_255, %and3A_288] : memref<80x64xi32, #tpu.memory_space<vmem>>[vector<16xi32>, vector<16xi32>], vector<16xi32>,
          %bitcast3A_291 = vector.bitcast %gather3A_289 : vector<16xi32> to vector<32xbf16>
          %bitcast3A_292 = vector.bitcast %gather3A_290 : vector<16xi32> to vector<32xbf16>
          %mul3A_293 = arith.mulf %bitcast3A_291, %bitcast3A_292 : vector<32xbf16>
          %unpack3A_294 = tpu.unpack_subelements %mul3A_293, 0 {pack_format = #tpu.pack_format<interleaved>} : vector<32xbf16> -> vector<16xf32>
          %unpack3A_295 = tpu.unpack_subelements %mul3A_293, 1 {pack_format = #tpu.pack_format<interleaved>} : vector<32xbf16> -> vector<16xf32>
          %add3A_296 = arith.addf %unpack3A_294, %unpack3A_295 : vector<16xf32>
          %add3A_297 = arith.addf %add3A_281, %add3A_296 : vector<16xf32>
          %add3A_298 = arith.addf %scan3A_268, %add3A_297 : vector<16xf32>
          scf.yield %add3A_298 : vector<16xf32>
        }
        %scan3A_263 = arith.constant 32 : i32
        %mul3A_264 = arith.constant 16 : i32
        %mul3A_265 = arith.muli %scan3A_252, %mul3A_264 : i32
        %swap3A = arith.index_cast %mul3A_265 : i32 to index
        %swap3A_266 = tpu.vector_load %arg22[%swap3A] {strides = array<i32>} : memref<80xf32, #tpu.memory_space<vmem>>, vector<16xf32>,
        tpu.vector_store %arg22[%swap3A], %scan3A_262 {strides = array<i32>} : memref<80xf32, #tpu.memory_space<vmem>>, vector<16xf32>,
      }
      %scan3A_140 = arith.constant 5 : i32
      %mul3A_141 = arith.constant 80 : i32
      %mul3A_142 = arith.muli %add3A_123, %mul3A_141 : i32
      %add3A_143 = arith.addi %mul3A_2, %mul3A_142 : i32
      %dma_start3A_144 = tpu.memref_slice %arg5[%add3A_143] : memref<320000xf32, #tpu.memory_space<hbm>> -> memref<80xf32, #tpu.memory_space<hbm>>
      %dma_start3A_145 = tpu.memref_slice %arg5[%add3A_143] : memref<320000xf32, #tpu.memory_space<hbm>> -> memref<80xf32, #tpu.memory_space<hbm>>
      tpu.enqueue_dma source(%arg22 : memref<80xf32, #tpu.memory_space<vmem>>) target(%dma_start3A_145 : memref<80xf32, #tpu.memory_space<hbm>>) target_semaphore(%arg32 : memref<!tpu.dma_semaphore, #tpu.memory_space<semaphore_mem>>)
      %add3A_146 = arith.constant 5 : i32
      %add3A_147 = arith.addi %add3A_123, %add3A_146 : i32
      %lt3A_148 = arith.constant 125 : i32
      %lt3A_149 = arith.cmpi slt, %add3A_147, %lt3A_148 : i32
      %convert_element_type3A_150 = arith.extui %lt3A_149 : i1 to i32
      %cond3A_151 = arith.constant 0 : i32
      %cond3A_152 = arith.cmpi ne, %convert_element_type3A_150, %cond3A_151 : i32
      scf.if %cond3A_152 {
        %add3A_252 = arith.constant 5 : i32
        %add3A_253 = arith.addi %add3A_123, %add3A_252 : i32
        %mul3A_254 = arith.constant 80 : i32
        %mul3A_255 = arith.muli %add3A_253, %mul3A_254 : i32
        %dma_start3A_256 = tpu.memref_slice %arg7[%mul3A_255] : memref<10000xi32, #tpu.memory_space<vmem>> -> memref<80xi32, #tpu.memory_space<vmem>>
        %dma_start3A_257 = arith.constant 0 : i32
        %dma_start3A_258 = arith.constant 0 : i32
        %dma_start3A_259 = tpu.memref_slice %arg6[%dma_start3A_257, %dma_start3A_258] : memref<10000x64xi32, #tpu.memory_space<vmem_shared>> -> memref<10000x64xi32, #tpu.memory_space<vmem_shared>>
        tpu.enqueue_indirect_dma source(%dma_start3A_259 : memref<10000x64xi32, #tpu.memory_space<vmem_shared>>) target(%arg12 : memref<80x64xi32, #tpu.memory_space<vmem>>) offsets(%dma_start3A_256 : memref<80xi32, #tpu.memory_space<vmem>>) semaphore(%arg27 : memref<!tpu.dma_semaphore, #tpu.memory_space<semaphore_mem>>)
        %dma_start3A_260 = tpu.memref_slice %arg8[%mul3A_255] : memref<10000xi32, #tpu.memory_space<vmem>> -> memref<80xi32, #tpu.memory_space<vmem>>
        %dma_start3A_261 = arith.constant 0 : i32
        %dma_start3A_262 = arith.constant 0 : i32
        %dma_start3A_263 = tpu.memref_slice %arg6[%dma_start3A_261, %dma_start3A_262] : memref<10000x64xi32, #tpu.memory_space<vmem_shared>> -> memref<10000x64xi32, #tpu.memory_space<vmem_shared>>
        tpu.enqueue_indirect_dma source(%dma_start3A_263 : memref<10000x64xi32, #tpu.memory_space<vmem_shared>>) target(%arg17 : memref<80x64xi32, #tpu.memory_space<vmem>>) offsets(%dma_start3A_260 : memref<80xi32, #tpu.memory_space<vmem>>) semaphore(%arg27 : memref<!tpu.dma_semaphore, #tpu.memory_space<semaphore_mem>>)
      } else {
      }
      %mul3A_153 = arith.constant 5 : i32
      %mul3A_154 = arith.muli %scan3A_89, %mul3A_153 : i32
      %add3A_155 = arith.constant 2 : i32
      %add3A_156 = arith.addi %mul3A_154, %add3A_155 : i32
      %dma_wait3A_157 = arith.constant 0 : i32
      %dma_wait3A_158 = arith.constant 0 : i32
      %dma_wait3A_159 = tpu.memref_slice %arg2[%dma_wait3A_157, %dma_wait3A_158] : memref<10000x128xf32, #tpu.memory_space<hbm>> -> memref<80x128xf32, #tpu.memory_space<hbm>>
      %dma_wait3A_160 = arith.constant 0 : i32
      %dma_wait3A_161 = arith.constant 0 : i32
      %dma_wait3A_162 = tpu.memref_slice %arg2[%dma_wait3A_160, %dma_wait3A_161] : memref<10000x128xf32, #tpu.memory_space<hbm>> -> memref<80x128xf32, #tpu.memory_space<hbm>>
      tpu.wait_dma2 semaphore(%arg28 : memref<!tpu.dma_semaphore, #tpu.memory_space<semaphore_mem>>) src(%dma_wait3A_162 : memref<80x128xf32, #tpu.memory_space<hbm>>) dst(%arg9 : memref<80x128xf32, #tpu.memory_space<vmem>>)
      %ge3A_163 = arith.constant 5 : i32
      %ge3A_164 = arith.cmpi sge, %add3A_156, %ge3A_163 : i32
      %convert_element_type3A_165 = arith.extui %ge3A_164 : i1 to i32
      %cond3A_166 = arith.constant 0 : i32
      %cond3A_167 = arith.cmpi ne, %convert_element_type3A_165, %cond3A_166 : i32
      scf.if %cond3A_167 {
        %dma_wait3A_252 = arith.constant 0 : i32
        %dma_wait3A_253 = tpu.memref_slice %arg5[%dma_wait3A_252] : memref<320000xf32, #tpu.memory_space<hbm>> -> memref<80xf32, #tpu.memory_space<hbm>>
        %dma_wait3A_254 = arith.constant 0 : i32
        %dma_wait3A_255 = tpu.memref_slice %arg5[%dma_wait3A_254] : memref<320000xf32, #tpu.memory_space<hbm>> -> memref<80xf32, #tpu.memory_space<hbm>>
        tpu.wait_dma2 semaphore(%arg33 : memref<!tpu.dma_semaphore, #tpu.memory_space<semaphore_mem>>) src(%arg23 : memref<80xf32, #tpu.memory_space<vmem>>) dst(%dma_wait3A_255 : memref<80xf32, #tpu.memory_space<hbm>>)
      } else {
      }
      %scan3A_168 = arith.constant 0 : i32
      %scan3A_169 = arith.constant 0 : i32
      %scan3A_170 = arith.constant 5 : i32
      %scan3A_171 = arith.addi %scan3A_169, %scan3A_170 : i32
      %scan3A_172 = arith.constant 1 : i32
      scf.for %scan3A_252 = %scan3A_169 to %scan3A_171 step %scan3A_172  : i32 {
        %mul3A_253 = arith.constant 16 : i32
        %mul3A_254 = arith.muli %scan3A_252, %mul3A_253 : i32
        %broadcast_in_dim3A = vector.broadcast %mul3A_254 : i32 to vector<16xi32>
        %add3A_255 = arith.addi %broadcast_in_dim3A, %iota3A : vector<16xi32>
        %broadcast_in_dim3A_256 = arith.constant 0.000000e+00 : f32
        %broadcast_in_dim3A_257 = vector.broadcast %broadcast_in_dim3A_256 : f32 to vector<16xf32>
        %scan3A_258 = arith.constant 0 : i32
        %scan3A_259 = arith.constant 32 : i32
        %scan3A_260 = arith.addi %scan3A_258, %scan3A_259 : i32
        %scan3A_261 = arith.constant 1 : i32
        %scan3A_262 = scf.for %scan3A_267 = %scan3A_258 to %scan3A_260 step %scan3A_261 iter_args(%scan3A_268 = %broadcast_in_dim3A_257) -> (vector<16xf32>)  : i32 {
          %mul3A_269 = arith.constant 2 : i32
          %mul3A_270 = arith.muli %scan3A_267, %mul3A_269 : i32
          %add3A_271 = arith.constant 0 : i32
          %add3A_272 = arith.addi %mul3A_270, %add3A_271 : i32
          %add3A_273 = vector.broadcast %add3A_272 : i32 to vector<16xi32>
          %add3A_274 = arith.addi %iota3A, %add3A_273 : vector<16xi32>
          %and3A = arith.constant 63 : i32
          %and3A_275 = vector.broadcast %and3A : i32 to vector<16xi32>
          %and3A_276 = arith.andi %add3A_274, %and3A_275 : vector<16xi32>
          %gather3A = tpu.vector_load_idx %arg13[%add3A_255, %and3A_276] : memref<80x64xi32, #tpu.memory_space<vmem>>[vector<16xi32>, vector<16xi32>], vector<16xi32>,
          %gather3A_277 = tpu.vector_load_idx %arg18[%add3A_255, %and3A_276] : memref<80x64xi32, #tpu.memory_space<vmem>>[vector<16xi32>, vector<16xi32>], vector<16xi32>,
          %bitcast3A = vector.bitcast %gather3A : vector<16xi32> to vector<32xbf16>
          %bitcast3A_278 = vector.bitcast %gather3A_277 : vector<16xi32> to vector<32xbf16>
          %mul3A_279 = arith.mulf %bitcast3A, %bitcast3A_278 : vector<32xbf16>
          %unpack3A = tpu.unpack_subelements %mul3A_279, 0 {pack_format = #tpu.pack_format<interleaved>} : vector<32xbf16> -> vector<16xf32>
          %unpack3A_280 = tpu.unpack_subelements %mul3A_279, 1 {pack_format = #tpu.pack_format<interleaved>} : vector<32xbf16> -> vector<16xf32>
          %add3A_281 = arith.addf %unpack3A, %unpack3A_280 : vector<16xf32>
          %add3A_282 = arith.constant 1 : i32
          %add3A_283 = arith.addi %mul3A_270, %add3A_282 : i32
          %add3A_284 = vector.broadcast %add3A_283 : i32 to vector<16xi32>
          %add3A_285 = arith.addi %iota3A, %add3A_284 : vector<16xi32>
          %and3A_286 = arith.constant 63 : i32
          %and3A_287 = vector.broadcast %and3A_286 : i32 to vector<16xi32>
          %and3A_288 = arith.andi %add3A_285, %and3A_287 : vector<16xi32>
          %gather3A_289 = tpu.vector_load_idx %arg13[%add3A_255, %and3A_288] : memref<80x64xi32, #tpu.memory_space<vmem>>[vector<16xi32>, vector<16xi32>], vector<16xi32>,
          %gather3A_290 = tpu.vector_load_idx %arg18[%add3A_255, %and3A_288] : memref<80x64xi32, #tpu.memory_space<vmem>>[vector<16xi32>, vector<16xi32>], vector<16xi32>,
          %bitcast3A_291 = vector.bitcast %gather3A_289 : vector<16xi32> to vector<32xbf16>
          %bitcast3A_292 = vector.bitcast %gather3A_290 : vector<16xi32> to vector<32xbf16>
          %mul3A_293 = arith.mulf %bitcast3A_291, %bitcast3A_292 : vector<32xbf16>
          %unpack3A_294 = tpu.unpack_subelements %mul3A_293, 0 {pack_format = #tpu.pack_format<interleaved>} : vector<32xbf16> -> vector<16xf32>
          %unpack3A_295 = tpu.unpack_subelements %mul3A_293, 1 {pack_format = #tpu.pack_format<interleaved>} : vector<32xbf16> -> vector<16xf32>
          %add3A_296 = arith.addf %unpack3A_294, %unpack3A_295 : vector<16xf32>
          %add3A_297 = arith.addf %add3A_281, %add3A_296 : vector<16xf32>
          %add3A_298 = arith.addf %scan3A_268, %add3A_297 : vector<16xf32>
          scf.yield %add3A_298 : vector<16xf32>
        }
        %scan3A_263 = arith.constant 32 : i32
        %mul3A_264 = arith.constant 16 : i32
        %mul3A_265 = arith.muli %scan3A_252, %mul3A_264 : i32
        %swap3A = arith.index_cast %mul3A_265 : i32 to index
        %swap3A_266 = tpu.vector_load %arg23[%swap3A] {strides = array<i32>} : memref<80xf32, #tpu.memory_space<vmem>>, vector<16xf32>,
        tpu.vector_store %arg23[%swap3A], %scan3A_262 {strides = array<i32>} : memref<80xf32, #tpu.memory_space<vmem>>, vector<16xf32>,
      }
      %scan3A_173 = arith.constant 5 : i32
      %mul3A_174 = arith.constant 80 : i32
      %mul3A_175 = arith.muli %add3A_156, %mul3A_174 : i32
      %add3A_176 = arith.addi %mul3A_2, %mul3A_175 : i32
      %dma_start3A_177 = tpu.memref_slice %arg5[%add3A_176] : memref<320000xf32, #tpu.memory_space<hbm>> -> memref<80xf32, #tpu.memory_space<hbm>>
      %dma_start3A_178 = tpu.memref_slice %arg5[%add3A_176] : memref<320000xf32, #tpu.memory_space<hbm>> -> memref<80xf32, #tpu.memory_space<hbm>>
      tpu.enqueue_dma source(%arg23 : memref<80xf32, #tpu.memory_space<vmem>>) target(%dma_start3A_178 : memref<80xf32, #tpu.memory_space<hbm>>) target_semaphore(%arg33 : memref<!tpu.dma_semaphore, #tpu.memory_space<semaphore_mem>>)
      %add3A_179 = arith.constant 5 : i32
      %add3A_180 = arith.addi %add3A_156, %add3A_179 : i32
      %lt3A_181 = arith.constant 125 : i32
      %lt3A_182 = arith.cmpi slt, %add3A_180, %lt3A_181 : i32
      %convert_element_type3A_183 = arith.extui %lt3A_182 : i1 to i32
      %cond3A_184 = arith.constant 0 : i32
      %cond3A_185 = arith.cmpi ne, %convert_element_type3A_183, %cond3A_184 : i32
      scf.if %cond3A_185 {
        %add3A_252 = arith.constant 5 : i32
        %add3A_253 = arith.addi %add3A_156, %add3A_252 : i32
        %mul3A_254 = arith.constant 80 : i32
        %mul3A_255 = arith.muli %add3A_253, %mul3A_254 : i32
        %dma_start3A_256 = tpu.memref_slice %arg7[%mul3A_255] : memref<10000xi32, #tpu.memory_space<vmem>> -> memref<80xi32, #tpu.memory_space<vmem>>
        %dma_start3A_257 = arith.constant 0 : i32
        %dma_start3A_258 = arith.constant 0 : i32
        %dma_start3A_259 = tpu.memref_slice %arg6[%dma_start3A_257, %dma_start3A_258] : memref<10000x64xi32, #tpu.memory_space<vmem_shared>> -> memref<10000x64xi32, #tpu.memory_space<vmem_shared>>
        tpu.enqueue_indirect_dma source(%dma_start3A_259 : memref<10000x64xi32, #tpu.memory_space<vmem_shared>>) target(%arg13 : memref<80x64xi32, #tpu.memory_space<vmem>>) offsets(%dma_start3A_256 : memref<80xi32, #tpu.memory_space<vmem>>) semaphore(%arg28 : memref<!tpu.dma_semaphore, #tpu.memory_space<semaphore_mem>>)
        %dma_start3A_260 = tpu.memref_slice %arg8[%mul3A_255] : memref<10000xi32, #tpu.memory_space<vmem>> -> memref<80xi32, #tpu.memory_space<vmem>>
        %dma_start3A_261 = arith.constant 0 : i32
        %dma_start3A_262 = arith.constant 0 : i32
        %dma_start3A_263 = tpu.memref_slice %arg6[%dma_start3A_261, %dma_start3A_262] : memref<10000x64xi32, #tpu.memory_space<vmem_shared>> -> memref<10000x64xi32, #tpu.memory_space<vmem_shared>>
        tpu.enqueue_indirect_dma source(%dma_start3A_263 : memref<10000x64xi32, #tpu.memory_space<vmem_shared>>) target(%arg18 : memref<80x64xi32, #tpu.memory_space<vmem>>) offsets(%dma_start3A_260 : memref<80xi32, #tpu.memory_space<vmem>>) semaphore(%arg28 : memref<!tpu.dma_semaphore, #tpu.memory_space<semaphore_mem>>)
      } else {
      }
      %mul3A_186 = arith.constant 5 : i32
      %mul3A_187 = arith.muli %scan3A_89, %mul3A_186 : i32
      %add3A_188 = arith.constant 3 : i32
      %add3A_189 = arith.addi %mul3A_187, %add3A_188 : i32
      %dma_wait3A_190 = arith.constant 0 : i32
      %dma_wait3A_191 = arith.constant 0 : i32
      %dma_wait3A_192 = tpu.memref_slice %arg2[%dma_wait3A_190, %dma_wait3A_191] : memref<10000x128xf32, #tpu.memory_space<hbm>> -> memref<80x128xf32, #tpu.memory_space<hbm>>
      %dma_wait3A_193 = arith.constant 0 : i32
      %dma_wait3A_194 = arith.constant 0 : i32
      %dma_wait3A_195 = tpu.memref_slice %arg2[%dma_wait3A_193, %dma_wait3A_194] : memref<10000x128xf32, #tpu.memory_space<hbm>> -> memref<80x128xf32, #tpu.memory_space<hbm>>
      tpu.wait_dma2 semaphore(%arg29 : memref<!tpu.dma_semaphore, #tpu.memory_space<semaphore_mem>>) src(%dma_wait3A_195 : memref<80x128xf32, #tpu.memory_space<hbm>>) dst(%arg9 : memref<80x128xf32, #tpu.memory_space<vmem>>)
      %ge3A_196 = arith.constant 5 : i32
      %ge3A_197 = arith.cmpi sge, %add3A_189, %ge3A_196 : i32
      %convert_element_type3A_198 = arith.extui %ge3A_197 : i1 to i32
      %cond3A_199 = arith.constant 0 : i32
      %cond3A_200 = arith.cmpi ne, %convert_element_type3A_198, %cond3A_199 : i32
      scf.if %cond3A_200 {
        %dma_wait3A_252 = arith.constant 0 : i32
        %dma_wait3A_253 = tpu.memref_slice %arg5[%dma_wait3A_252] : memref<320000xf32, #tpu.memory_space<hbm>> -> memref<80xf32, #tpu.memory_space<hbm>>
        %dma_wait3A_254 = arith.constant 0 : i32
        %dma_wait3A_255 = tpu.memref_slice %arg5[%dma_wait3A_254] : memref<320000xf32, #tpu.memory_space<hbm>> -> memref<80xf32, #tpu.memory_space<hbm>>
        tpu.wait_dma2 semaphore(%arg34 : memref<!tpu.dma_semaphore, #tpu.memory_space<semaphore_mem>>) src(%arg24 : memref<80xf32, #tpu.memory_space<vmem>>) dst(%dma_wait3A_255 : memref<80xf32, #tpu.memory_space<hbm>>)
      } else {
      }
      %scan3A_201 = arith.constant 0 : i32
      %scan3A_202 = arith.constant 0 : i32
      %scan3A_203 = arith.constant 5 : i32
      %scan3A_204 = arith.addi %scan3A_202, %scan3A_203 : i32
      %scan3A_205 = arith.constant 1 : i32
      scf.for %scan3A_252 = %scan3A_202 to %scan3A_204 step %scan3A_205  : i32 {
        %mul3A_253 = arith.constant 16 : i32
        %mul3A_254 = arith.muli %scan3A_252, %mul3A_253 : i32
        %broadcast_in_dim3A = vector.broadcast %mul3A_254 : i32 to vector<16xi32>
        %add3A_255 = arith.addi %broadcast_in_dim3A, %iota3A : vector<16xi32>
        %broadcast_in_dim3A_256 = arith.constant 0.000000e+00 : f32
        %broadcast_in_dim3A_257 = vector.broadcast %broadcast_in_dim3A_256 : f32 to vector<16xf32>
        %scan3A_258 = arith.constant 0 : i32
        %scan3A_259 = arith.constant 32 : i32
        %scan3A_260 = arith.addi %scan3A_258, %scan3A_259 : i32
        %scan3A_261 = arith.constant 1 : i32
        %scan3A_262 = scf.for %scan3A_267 = %scan3A_258 to %scan3A_260 step %scan3A_261 iter_args(%scan3A_268 = %broadcast_in_dim3A_257) -> (vector<16xf32>)  : i32 {
          %mul3A_269 = arith.constant 2 : i32
          %mul3A_270 = arith.muli %scan3A_267, %mul3A_269 : i32
          %add3A_271 = arith.constant 0 : i32
          %add3A_272 = arith.addi %mul3A_270, %add3A_271 : i32
          %add3A_273 = vector.broadcast %add3A_272 : i32 to vector<16xi32>
          %add3A_274 = arith.addi %iota3A, %add3A_273 : vector<16xi32>
          %and3A = arith.constant 63 : i32
          %and3A_275 = vector.broadcast %and3A : i32 to vector<16xi32>
          %and3A_276 = arith.andi %add3A_274, %and3A_275 : vector<16xi32>
          %gather3A = tpu.vector_load_idx %arg14[%add3A_255, %and3A_276] : memref<80x64xi32, #tpu.memory_space<vmem>>[vector<16xi32>, vector<16xi32>], vector<16xi32>,
          %gather3A_277 = tpu.vector_load_idx %arg19[%add3A_255, %and3A_276] : memref<80x64xi32, #tpu.memory_space<vmem>>[vector<16xi32>, vector<16xi32>], vector<16xi32>,
          %bitcast3A = vector.bitcast %gather3A : vector<16xi32> to vector<32xbf16>
          %bitcast3A_278 = vector.bitcast %gather3A_277 : vector<16xi32> to vector<32xbf16>
          %mul3A_279 = arith.mulf %bitcast3A, %bitcast3A_278 : vector<32xbf16>
          %unpack3A = tpu.unpack_subelements %mul3A_279, 0 {pack_format = #tpu.pack_format<interleaved>} : vector<32xbf16> -> vector<16xf32>
          %unpack3A_280 = tpu.unpack_subelements %mul3A_279, 1 {pack_format = #tpu.pack_format<interleaved>} : vector<32xbf16> -> vector<16xf32>
          %add3A_281 = arith.addf %unpack3A, %unpack3A_280 : vector<16xf32>
          %add3A_282 = arith.constant 1 : i32
          %add3A_283 = arith.addi %mul3A_270, %add3A_282 : i32
          %add3A_284 = vector.broadcast %add3A_283 : i32 to vector<16xi32>
          %add3A_285 = arith.addi %iota3A, %add3A_284 : vector<16xi32>
          %and3A_286 = arith.constant 63 : i32
          %and3A_287 = vector.broadcast %and3A_286 : i32 to vector<16xi32>
          %and3A_288 = arith.andi %add3A_285, %and3A_287 : vector<16xi32>
          %gather3A_289 = tpu.vector_load_idx %arg14[%add3A_255, %and3A_288] : memref<80x64xi32, #tpu.memory_space<vmem>>[vector<16xi32>, vector<16xi32>], vector<16xi32>,
          %gather3A_290 = tpu.vector_load_idx %arg19[%add3A_255, %and3A_288] : memref<80x64xi32, #tpu.memory_space<vmem>>[vector<16xi32>, vector<16xi32>], vector<16xi32>,
          %bitcast3A_291 = vector.bitcast %gather3A_289 : vector<16xi32> to vector<32xbf16>
          %bitcast3A_292 = vector.bitcast %gather3A_290 : vector<16xi32> to vector<32xbf16>
          %mul3A_293 = arith.mulf %bitcast3A_291, %bitcast3A_292 : vector<32xbf16>
          %unpack3A_294 = tpu.unpack_subelements %mul3A_293, 0 {pack_format = #tpu.pack_format<interleaved>} : vector<32xbf16> -> vector<16xf32>
          %unpack3A_295 = tpu.unpack_subelements %mul3A_293, 1 {pack_format = #tpu.pack_format<interleaved>} : vector<32xbf16> -> vector<16xf32>
          %add3A_296 = arith.addf %unpack3A_294, %unpack3A_295 : vector<16xf32>
          %add3A_297 = arith.addf %add3A_281, %add3A_296 : vector<16xf32>
          %add3A_298 = arith.addf %scan3A_268, %add3A_297 : vector<16xf32>
          scf.yield %add3A_298 : vector<16xf32>
        }
        %scan3A_263 = arith.constant 32 : i32
        %mul3A_264 = arith.constant 16 : i32
        %mul3A_265 = arith.muli %scan3A_252, %mul3A_264 : i32
        %swap3A = arith.index_cast %mul3A_265 : i32 to index
        %swap3A_266 = tpu.vector_load %arg24[%swap3A] {strides = array<i32>} : memref<80xf32, #tpu.memory_space<vmem>>, vector<16xf32>,
        tpu.vector_store %arg24[%swap3A], %scan3A_262 {strides = array<i32>} : memref<80xf32, #tpu.memory_space<vmem>>, vector<16xf32>,
      }
      %scan3A_206 = arith.constant 5 : i32
      %mul3A_207 = arith.constant 80 : i32
      %mul3A_208 = arith.muli %add3A_189, %mul3A_207 : i32
      %add3A_209 = arith.addi %mul3A_2, %mul3A_208 : i32
      %dma_start3A_210 = tpu.memref_slice %arg5[%add3A_209] : memref<320000xf32, #tpu.memory_space<hbm>> -> memref<80xf32, #tpu.memory_space<hbm>>
      %dma_start3A_211 = tpu.memref_slice %arg5[%add3A_209] : memref<320000xf32, #tpu.memory_space<hbm>> -> memref<80xf32, #tpu.memory_space<hbm>>
      tpu.enqueue_dma source(%arg24 : memref<80xf32, #tpu.memory_space<vmem>>) target(%dma_start3A_211 : memref<80xf32, #tpu.memory_space<hbm>>) target_semaphore(%arg34 : memref<!tpu.dma_semaphore, #tpu.memory_space<semaphore_mem>>)
      %add3A_212 = arith.constant 5 : i32
      %add3A_213 = arith.addi %add3A_189, %add3A_212 : i32
      %lt3A_214 = arith.constant 125 : i32
      %lt3A_215 = arith.cmpi slt, %add3A_213, %lt3A_214 : i32
      %convert_element_type3A_216 = arith.extui %lt3A_215 : i1 to i32
      %cond3A_217 = arith.constant 0 : i32
      %cond3A_218 = arith.cmpi ne, %convert_element_type3A_216, %cond3A_217 : i32
      scf.if %cond3A_218 {
        %add3A_252 = arith.constant 5 : i32
        %add3A_253 = arith.addi %add3A_189, %add3A_252 : i32
        %mul3A_254 = arith.constant 80 : i32
        %mul3A_255 = arith.muli %add3A_253, %mul3A_254 : i32
        %dma_start3A_256 = tpu.memref_slice %arg7[%mul3A_255] : memref<10000xi32, #tpu.memory_space<vmem>> -> memref<80xi32, #tpu.memory_space<vmem>>
        %dma_start3A_257 = arith.constant 0 : i32
        %dma_start3A_258 = arith.constant 0 : i32
        %dma_start3A_259 = tpu.memref_slice %arg6[%dma_start3A_257, %dma_start3A_258] : memref<10000x64xi32, #tpu.memory_space<vmem_shared>> -> memref<10000x64xi32, #tpu.memory_space<vmem_shared>>
        tpu.enqueue_indirect_dma source(%dma_start3A_259 : memref<10000x64xi32, #tpu.memory_space<vmem_shared>>) target(%arg14 : memref<80x64xi32, #tpu.memory_space<vmem>>) offsets(%dma_start3A_256 : memref<80xi32, #tpu.memory_space<vmem>>) semaphore(%arg29 : memref<!tpu.dma_semaphore, #tpu.memory_space<semaphore_mem>>)
        %dma_start3A_260 = tpu.memref_slice %arg8[%mul3A_255] : memref<10000xi32, #tpu.memory_space<vmem>> -> memref<80xi32, #tpu.memory_space<vmem>>
        %dma_start3A_261 = arith.constant 0 : i32
        %dma_start3A_262 = arith.constant 0 : i32
        %dma_start3A_263 = tpu.memref_slice %arg6[%dma_start3A_261, %dma_start3A_262] : memref<10000x64xi32, #tpu.memory_space<vmem_shared>> -> memref<10000x64xi32, #tpu.memory_space<vmem_shared>>
        tpu.enqueue_indirect_dma source(%dma_start3A_263 : memref<10000x64xi32, #tpu.memory_space<vmem_shared>>) target(%arg19 : memref<80x64xi32, #tpu.memory_space<vmem>>) offsets(%dma_start3A_260 : memref<80xi32, #tpu.memory_space<vmem>>) semaphore(%arg29 : memref<!tpu.dma_semaphore, #tpu.memory_space<semaphore_mem>>)
      } else {
      }
      %mul3A_219 = arith.constant 5 : i32
      %mul3A_220 = arith.muli %scan3A_89, %mul3A_219 : i32
      %add3A_221 = arith.constant 4 : i32
      %add3A_222 = arith.addi %mul3A_220, %add3A_221 : i32
      %dma_wait3A_223 = arith.constant 0 : i32
      %dma_wait3A_224 = arith.constant 0 : i32
      %dma_wait3A_225 = tpu.memref_slice %arg2[%dma_wait3A_223, %dma_wait3A_224] : memref<10000x128xf32, #tpu.memory_space<hbm>> -> memref<80x128xf32, #tpu.memory_space<hbm>>
      %dma_wait3A_226 = arith.constant 0 : i32
      %dma_wait3A_227 = arith.constant 0 : i32
      %dma_wait3A_228 = tpu.memref_slice %arg2[%dma_wait3A_226, %dma_wait3A_227] : memref<10000x128xf32, #tpu.memory_space<hbm>> -> memref<80x128xf32, #tpu.memory_space<hbm>>
      tpu.wait_dma2 semaphore(%arg30 : memref<!tpu.dma_semaphore, #tpu.memory_space<semaphore_mem>>) src(%dma_wait3A_228 : memref<80x128xf32, #tpu.memory_space<hbm>>) dst(%arg9 : memref<80x128xf32, #tpu.memory_space<vmem>>)
      %ge3A_229 = arith.constant 5 : i32
      %ge3A_230 = arith.cmpi sge, %add3A_222, %ge3A_229 : i32
      %convert_element_type3A_231 = arith.extui %ge3A_230 : i1 to i32
      %cond3A_232 = arith.constant 0 : i32
      %cond3A_233 = arith.cmpi ne, %convert_element_type3A_231, %cond3A_232 : i32
      scf.if %cond3A_233 {
        %dma_wait3A_252 = arith.constant 0 : i32
        %dma_wait3A_253 = tpu.memref_slice %arg5[%dma_wait3A_252] : memref<320000xf32, #tpu.memory_space<hbm>> -> memref<80xf32, #tpu.memory_space<hbm>>
        %dma_wait3A_254 = arith.constant 0 : i32
        %dma_wait3A_255 = tpu.memref_slice %arg5[%dma_wait3A_254] : memref<320000xf32, #tpu.memory_space<hbm>> -> memref<80xf32, #tpu.memory_space<hbm>>
        tpu.wait_dma2 semaphore(%arg35 : memref<!tpu.dma_semaphore, #tpu.memory_space<semaphore_mem>>) src(%arg25 : memref<80xf32, #tpu.memory_space<vmem>>) dst(%dma_wait3A_255 : memref<80xf32, #tpu.memory_space<hbm>>)
      } else {
      }
      %scan3A_234 = arith.constant 0 : i32
      %scan3A_235 = arith.constant 0 : i32
      %scan3A_236 = arith.constant 5 : i32
      %scan3A_237 = arith.addi %scan3A_235, %scan3A_236 : i32
      %scan3A_238 = arith.constant 1 : i32
      scf.for %scan3A_252 = %scan3A_235 to %scan3A_237 step %scan3A_238  : i32 {
        %mul3A_253 = arith.constant 16 : i32
        %mul3A_254 = arith.muli %scan3A_252, %mul3A_253 : i32
        %broadcast_in_dim3A = vector.broadcast %mul3A_254 : i32 to vector<16xi32>
        %add3A_255 = arith.addi %broadcast_in_dim3A, %iota3A : vector<16xi32>
        %broadcast_in_dim3A_256 = arith.constant 0.000000e+00 : f32
        %broadcast_in_dim3A_257 = vector.broadcast %broadcast_in_dim3A_256 : f32 to vector<16xf32>
        %scan3A_258 = arith.constant 0 : i32
        %scan3A_259 = arith.constant 32 : i32
        %scan3A_260 = arith.addi %scan3A_258, %scan3A_259 : i32
        %scan3A_261 = arith.constant 1 : i32
        %scan3A_262 = scf.for %scan3A_267 = %scan3A_258 to %scan3A_260 step %scan3A_261 iter_args(%scan3A_268 = %broadcast_in_dim3A_257) -> (vector<16xf32>)  : i32 {
          %mul3A_269 = arith.constant 2 : i32
          %mul3A_270 = arith.muli %scan3A_267, %mul3A_269 : i32
          %add3A_271 = arith.constant 0 : i32
          %add3A_272 = arith.addi %mul3A_270, %add3A_271 : i32
          %add3A_273 = vector.broadcast %add3A_272 : i32 to vector<16xi32>
          %add3A_274 = arith.addi %iota3A, %add3A_273 : vector<16xi32>
          %and3A = arith.constant 63 : i32
          %and3A_275 = vector.broadcast %and3A : i32 to vector<16xi32>
          %and3A_276 = arith.andi %add3A_274, %and3A_275 : vector<16xi32>
          %gather3A = tpu.vector_load_idx %arg15[%add3A_255, %and3A_276] : memref<80x64xi32, #tpu.memory_space<vmem>>[vector<16xi32>, vector<16xi32>], vector<16xi32>,
          %gather3A_277 = tpu.vector_load_idx %arg20[%add3A_255, %and3A_276] : memref<80x64xi32, #tpu.memory_space<vmem>>[vector<16xi32>, vector<16xi32>], vector<16xi32>,
          %bitcast3A = vector.bitcast %gather3A : vector<16xi32> to vector<32xbf16>
          %bitcast3A_278 = vector.bitcast %gather3A_277 : vector<16xi32> to vector<32xbf16>
          %mul3A_279 = arith.mulf %bitcast3A, %bitcast3A_278 : vector<32xbf16>
          %unpack3A = tpu.unpack_subelements %mul3A_279, 0 {pack_format = #tpu.pack_format<interleaved>} : vector<32xbf16> -> vector<16xf32>
          %unpack3A_280 = tpu.unpack_subelements %mul3A_279, 1 {pack_format = #tpu.pack_format<interleaved>} : vector<32xbf16> -> vector<16xf32>
          %add3A_281 = arith.addf %unpack3A, %unpack3A_280 : vector<16xf32>
          %add3A_282 = arith.constant 1 : i32
          %add3A_283 = arith.addi %mul3A_270, %add3A_282 : i32
          %add3A_284 = vector.broadcast %add3A_283 : i32 to vector<16xi32>
          %add3A_285 = arith.addi %iota3A, %add3A_284 : vector<16xi32>
          %and3A_286 = arith.constant 63 : i32
          %and3A_287 = vector.broadcast %and3A_286 : i32 to vector<16xi32>
          %and3A_288 = arith.andi %add3A_285, %and3A_287 : vector<16xi32>
          %gather3A_289 = tpu.vector_load_idx %arg15[%add3A_255, %and3A_288] : memref<80x64xi32, #tpu.memory_space<vmem>>[vector<16xi32>, vector<16xi32>], vector<16xi32>,
          %gather3A_290 = tpu.vector_load_idx %arg20[%add3A_255, %and3A_288] : memref<80x64xi32, #tpu.memory_space<vmem>>[vector<16xi32>, vector<16xi32>], vector<16xi32>,
          %bitcast3A_291 = vector.bitcast %gather3A_289 : vector<16xi32> to vector<32xbf16>
          %bitcast3A_292 = vector.bitcast %gather3A_290 : vector<16xi32> to vector<32xbf16>
          %mul3A_293 = arith.mulf %bitcast3A_291, %bitcast3A_292 : vector<32xbf16>
          %unpack3A_294 = tpu.unpack_subelements %mul3A_293, 0 {pack_format = #tpu.pack_format<interleaved>} : vector<32xbf16> -> vector<16xf32>
          %unpack3A_295 = tpu.unpack_subelements %mul3A_293, 1 {pack_format = #tpu.pack_format<interleaved>} : vector<32xbf16> -> vector<16xf32>
          %add3A_296 = arith.addf %unpack3A_294, %unpack3A_295 : vector<16xf32>
          %add3A_297 = arith.addf %add3A_281, %add3A_296 : vector<16xf32>
          %add3A_298 = arith.addf %scan3A_268, %add3A_297 : vector<16xf32>
          scf.yield %add3A_298 : vector<16xf32>
        }
        %scan3A_263 = arith.constant 32 : i32
        %mul3A_264 = arith.constant 16 : i32
        %mul3A_265 = arith.muli %scan3A_252, %mul3A_264 : i32
        %swap3A = arith.index_cast %mul3A_265 : i32 to index
        %swap3A_266 = tpu.vector_load %arg25[%swap3A] {strides = array<i32>} : memref<80xf32, #tpu.memory_space<vmem>>, vector<16xf32>,
        tpu.vector_store %arg25[%swap3A], %scan3A_262 {strides = array<i32>} : memref<80xf32, #tpu.memory_space<vmem>>, vector<16xf32>,
      }
      %scan3A_239 = arith.constant 5 : i32
      %mul3A_240 = arith.constant 80 : i32
      %mul3A_241 = arith.muli %add3A_222, %mul3A_240 : i32
      %add3A_242 = arith.addi %mul3A_2, %mul3A_241 : i32
      %dma_start3A_243 = tpu.memref_slice %arg5[%add3A_242] : memref<320000xf32, #tpu.memory_space<hbm>> -> memref<80xf32, #tpu.memory_space<hbm>>
      %dma_start3A_244 = tpu.memref_slice %arg5[%add3A_242] : memref<320000xf32, #tpu.memory_space<hbm>> -> memref<80xf32, #tpu.memory_space<hbm>>
      tpu.enqueue_dma source(%arg25 : memref<80xf32, #tpu.memory_space<vmem>>) target(%dma_start3A_244 : memref<80xf32, #tpu.memory_space<hbm>>) target_semaphore(%arg35 : memref<!tpu.dma_semaphore, #tpu.memory_space<semaphore_mem>>)
      %add3A_245 = arith.constant 5 : i32
      %add3A_246 = arith.addi %add3A_222, %add3A_245 : i32
      %lt3A_247 = arith.constant 125 : i32
      %lt3A_248 = arith.cmpi slt, %add3A_246, %lt3A_247 : i32
      %convert_element_type3A_249 = arith.extui %lt3A_248 : i1 to i32
      %cond3A_250 = arith.constant 0 : i32
      %cond3A_251 = arith.cmpi ne, %convert_element_type3A_249, %cond3A_250 : i32
      scf.if %cond3A_251 {
        %add3A_252 = arith.constant 5 : i32
        %add3A_253 = arith.addi %add3A_222, %add3A_252 : i32
        %mul3A_254 = arith.constant 80 : i32
        %mul3A_255 = arith.muli %add3A_253, %mul3A_254 : i32
        %dma_start3A_256 = tpu.memref_slice %arg7[%mul3A_255] : memref<10000xi32, #tpu.memory_space<vmem>> -> memref<80xi32, #tpu.memory_space<vmem>>
        %dma_start3A_257 = arith.constant 0 : i32
        %dma_start3A_258 = arith.constant 0 : i32
        %dma_start3A_259 = tpu.memref_slice %arg6[%dma_start3A_257, %dma_start3A_258] : memref<10000x64xi32, #tpu.memory_space<vmem_shared>> -> memref<10000x64xi32, #tpu.memory_space<vmem_shared>>
        tpu.enqueue_indirect_dma source(%dma_start3A_259 : memref<10000x64xi32, #tpu.memory_space<vmem_shared>>) target(%arg15 : memref<80x64xi32, #tpu.memory_space<vmem>>) offsets(%dma_start3A_256 : memref<80xi32, #tpu.memory_space<vmem>>) semaphore(%arg30 : memref<!tpu.dma_semaphore, #tpu.memory_space<semaphore_mem>>)
        %dma_start3A_260 = tpu.memref_slice %arg8[%mul3A_255] : memref<10000xi32, #tpu.memory_space<vmem>> -> memref<80xi32, #tpu.memory_space<vmem>>
        %dma_start3A_261 = arith.constant 0 : i32
        %dma_start3A_262 = arith.constant 0 : i32
        %dma_start3A_263 = tpu.memref_slice %arg6[%dma_start3A_261, %dma_start3A_262] : memref<10000x64xi32, #tpu.memory_space<vmem_shared>> -> memref<10000x64xi32, #tpu.memory_space<vmem_shared>>
        tpu.enqueue_indirect_dma source(%dma_start3A_263 : memref<10000x64xi32, #tpu.memory_space<vmem_shared>>) target(%arg20 : memref<80x64xi32, #tpu.memory_space<vmem>>) offsets(%dma_start3A_260 : memref<80xi32, #tpu.memory_space<vmem>>) semaphore(%arg30 : memref<!tpu.dma_semaphore, #tpu.memory_space<semaphore_mem>>)
      } else {
      }
    }
    %scan3A_69 = arith.constant 25 : i32
    %dma_wait3A = arith.constant 0 : i32
    %dma_wait3A_70 = tpu.memref_slice %arg5[%dma_wait3A] : memref<320000xf32, #tpu.memory_space<hbm>> -> memref<80xf32, #tpu.memory_space<hbm>>
    %dma_wait3A_71 = arith.constant 0 : i32
    %dma_wait3A_72 = tpu.memref_slice %arg5[%dma_wait3A_71] : memref<320000xf32, #tpu.memory_space<hbm>> -> memref<80xf32, #tpu.memory_space<hbm>>
    tpu.wait_dma2 semaphore(%arg31 : memref<!tpu.dma_semaphore, #tpu.memory_space<semaphore_mem>>) src(%arg21 : memref<80xf32, #tpu.memory_space<vmem>>) dst(%dma_wait3A_72 : memref<80xf32, #tpu.memory_space<hbm>>)
    %dma_wait3A_73 = arith.constant 0 : i32
    %dma_wait3A_74 = tpu.memref_slice %arg5[%dma_wait3A_73] : memref<320000xf32, #tpu.memory_space<hbm>> -> memref<80xf32, #tpu.memory_space<hbm>>
    %dma_wait3A_75 = arith.constant 0 : i32
    %dma_wait3A_76 = tpu.memref_slice %arg5[%dma_wait3A_75] : memref<320000xf32, #tpu.memory_space<hbm>> -> memref<80xf32, #tpu.memory_space<hbm>>
    tpu.wait_dma2 semaphore(%arg32 : memref<!tpu.dma_semaphore, #tpu.memory_space<semaphore_mem>>) src(%arg22 : memref<80xf32, #tpu.memory_space<vmem>>) dst(%dma_wait3A_76 : memref<80xf32, #tpu.memory_space<hbm>>)
    %dma_wait3A_77 = arith.constant 0 : i32
    %dma_wait3A_78 = tpu.memref_slice %arg5[%dma_wait3A_77] : memref<320000xf32, #tpu.memory_space<hbm>> -> memref<80xf32, #tpu.memory_space<hbm>>
    %dma_wait3A_79 = arith.constant 0 : i32
    %dma_wait3A_80 = tpu.memref_slice %arg5[%dma_wait3A_79] : memref<320000xf32, #tpu.memory_space<hbm>> -> memref<80xf32, #tpu.memory_space<hbm>>
    tpu.wait_dma2 semaphore(%arg33 : memref<!tpu.dma_semaphore, #tpu.memory_space<semaphore_mem>>) src(%arg23 : memref<80xf32, #tpu.memory_space<vmem>>) dst(%dma_wait3A_80 : memref<80xf32, #tpu.memory_space<hbm>>)
    %dma_wait3A_81 = arith.constant 0 : i32
    %dma_wait3A_82 = tpu.memref_slice %arg5[%dma_wait3A_81] : memref<320000xf32, #tpu.memory_space<hbm>> -> memref<80xf32, #tpu.memory_space<hbm>>
    %dma_wait3A_83 = arith.constant 0 : i32
    %dma_wait3A_84 = tpu.memref_slice %arg5[%dma_wait3A_83] : memref<320000xf32, #tpu.memory_space<hbm>> -> memref<80xf32, #tpu.memory_space<hbm>>
    tpu.wait_dma2 semaphore(%arg34 : memref<!tpu.dma_semaphore, #tpu.memory_space<semaphore_mem>>) src(%arg24 : memref<80xf32, #tpu.memory_space<vmem>>) dst(%dma_wait3A_84 : memref<80xf32, #tpu.memory_space<hbm>>)
    %dma_wait3A_85 = arith.constant 0 : i32
    %dma_wait3A_86 = tpu.memref_slice %arg5[%dma_wait3A_85] : memref<320000xf32, #tpu.memory_space<hbm>> -> memref<80xf32, #tpu.memory_space<hbm>>
    %dma_wait3A_87 = arith.constant 0 : i32
    %dma_wait3A_88 = tpu.memref_slice %arg5[%dma_wait3A_87] : memref<320000xf32, #tpu.memory_space<hbm>> -> memref<80xf32, #tpu.memory_space<hbm>>
    tpu.wait_dma2 semaphore(%arg35 : memref<!tpu.dma_semaphore, #tpu.memory_space<semaphore_mem>>) src(%arg25 : memref<80xf32, #tpu.memory_space<vmem>>) dst(%dma_wait3A_88 : memref<80xf32, #tpu.memory_space<hbm>>)
    return
  }
}

</mosaic_0001>

<sc_bundles>
// kernel: kernel.3.cloned.1.call-start
scs
__scs_entry_jumppad:
0x0: {  	(pc) =	sbr.rel $0x88, $3  }
0x1: {  	(tag) =	ssettag $0x0;
	lr =	simm.s32 $0x1  }
0x2: {  	[smem:$0x3F9F] =	sst lr;
	_ =	strace $0xD0000000  }
0x3: {  	_ = 	snop  }
0x4: {  	_ = 	snop  }
0x5: {  	_ = 	snop  }
0x6: {  	_ = 	snop  }
0x7: {  	_ = 	snop  }
__scs_overlays_trampoline_lowered:
0x8: {  	[smem:$0x3FAE] =	sst s0  }
0x9: {  	[smem:$0x3FAF] =	sst s1  }
0xa: {  	[smem:$0x3FB0] =	sst s2  }
0xb: {  	[smem:$0x3FB1] =	sst s3  }
0xc: {  	[smem:$0x3FB2] =	sst s4  }
0xd: {  	[smem:$0x3FB3] =	sst s5  }
0xe: {  	[smem:$0x3FB4] =	sst s6  }
0xf: {  	[smem:$0x3FB5] =	sst s7  }
0x10: {  	[smem:$0x3FB6] =	sst s8  }
0x11: {  	[smem:$0x3FB7] =	sst s9;
	s0 =	simm.s32 @!p0 $0x0  }
0x12: {  	s1 =	sld [smem:$0x3F9D];
	s0 =	simm.s32 @p0 $0x1  }
0x13: {  	[smem:$0x3FB8] =	sst s0;
	s0 =	simm.s32 @!p1 $0x0  }
0x14: {  	s2 =	sld [smem:$0x3F9C];
	s0 =	simm.s32 @p1 $0x1  }
0x15: {  	[smem:$0x3FB9] =	sst s0;
	s0 =	simm.s32 @!p2 $0x0  }
0x16: {  	s3 =	sld [smem:$0x3FDB];
	s0 =	simm.s32 @p2 $0x1  }
0x17: {  	s4 =	simm.s32 $0x1BF5;
	[smem:$0x3FBB] =	sst s0  }
0x18: {  	s0 =	sld [smem:$0x3F9E];
	_ =	swait.ge [sflag:s4], $0x0  }
0x19: {  	s7 =	sld [smem:$0x3F9F]  }
0x1a: {  	s8 =	sadd.s32 $0xFFFFE003, lr  }
0x1b: {  	s9 =	sadd.s32 $0xFFFFFEF7, lr;
	s5 =	simm.s32 $0xFFFFFFFF;
	p2 =	slt.u32 s8, $0xFFFFF086  }
0x1c: {  	p1 =	slt.u32 s9, $0xF7A;
	s5 =	simm.s32 @!p2 $0x0  }
0x1d: {  	s5 =	simm.s32 @p1 $0x1;
	p0 =	seq.s32 s7, s2  }
0x1e: {  	s7 =	smul.u32 @!p0 $0xF7A, s2;
	p2 =	seq.s32 @!p0 s5, $0x0  }
0x1f: {  	s9 =	smul.u32 $0xF7A, s1;
	s8 =	simm.s32 @!p0 $0x1BF5;
	p2 =	por !p2, p0  }
0x20: {  	[sflag:s8] =	ssyncset.s32 @!p0 $0xFFFFF086;
	s6 =	sadd.s32 @!p0 s3, s7;
	s7 =	simm.s32 @!p0 $0x108  }
0x21: {  	s3 =	sadd.s32 s3, s9;
	s6 =	sadd.s32 @!p0 $0x88, s6;
	s7 =	simm.s32 @p2 $0x1082  }
0x22: {  	[simem:s7], [sflag:s8] =	dma.local @!p0 [hbm:s6], $0xF7A  }
0x23: {  	s9 =	sor.u32 $0xD0000000, s2;
	s6 =	simm.s32 $0x108;
	_ =	swait.ge @!p0 [sflag:s8], $0x0  }
0x24: {  	s3 =	sadd.s32 $0x88, s3;
	s6 =	simm.s32 @!p1 $0x1082;
	[sflag:s4] =	ssyncset.s32 $0xFFFFF086  }
0x25: {  	[simem:s6], [sflag:s4] =	dma.local [hbm:s3], $0xF7A  }
0x26: {  	[smem:$0x3F9F] =	sst s1;
	(tag) =	ssettag s2;
	_ =	strace s9  }
0x27: {  	s1 =	sld [smem:$0x3FAF]  }
0x28: {  	s2 =	sld [smem:$0x3FB0]  }
0x29: {  	s4 =	sld [smem:$0x3FB2]  }
0x2a: {  	p0 =	seq.s32 s5, $0x0;
	s5 =	sld [smem:$0x3FB3]  }
0x2b: {  	s6 =	sld [smem:$0x3FB4]  }
0x2c: {  	s7 =	sld [smem:$0x3FB5]  }
0x2d: {  	s3 =	simm.s32 $0x108;
	s8 =	sld [smem:$0x3FB6]  }
0x2e: {  	s3 =	simm.s32 @!p0 $0x1082;
	s9 =	sld [smem:$0x3FB7]  }
0x2f: {  	lr =	sadd.s32 s0, s3;
	s0 =	sld [smem:$0x3FAE]  }
0x30: {  	s3 =	sld [smem:$0x3FB1]  }
0x31: {  	[smem:$0x3FBA] =	sst s10  }
0x32: {  	s10 =	sld [smem:$0x3FB8];
	_ =	sdelay $0x3  }
0x33: {  	p0 =	seq.s32 s10, $0x1;
	s10 =	sld [smem:$0x3FBA];
	_ =	sdelay $0x3  }
0x34: {  	[smem:$0x3FBA] =	sst s10  }
0x35: {  	s10 =	sld [smem:$0x3FB9];
	_ =	sdelay $0x3  }
0x36: {  	p1 =	seq.s32 s10, $0x1;
	s10 =	sld [smem:$0x3FBA];
	_ =	sdelay $0x3  }
0x37: {  	[smem:$0x3FBA] =	sst s10  }
0x38: {  	s10 =	sld [smem:$0x3FBB]  }
0x39: {  	_ = 	snop;
	(pc) =	sbr.ind lr, $3  }
0x3a: {  	_ = 	snop  }
0x3b: {  	_ = 	snop  }
0x3c: {  	p2 =	seq.s32 s10, $0x1;
	s10 =	sld [smem:$0x3FBA]  }
0x3d: {  	_ =	shalt  }
0x3e: {  	_ =	shalt  }
0x3f: {  	_ =	shalt  }
0x40: {  	_ =	shalt  }
0x41: {  	_ =	shalt  }
0x42: {  	_ =	shalt  }
0x43: {  	_ =	shalt  }
0x44: {  	_ =	shalt  }
0x45: {  	_ =	shalt  }
0x46: {  	_ =	shalt  }
0x47: {  	_ =	shalt  }
0x48: {  	_ =	shalt  }
0x49: {  	_ =	shalt  }
0x4a: {  	_ =	shalt  }
0x4b: {  	_ =	shalt  }
0x4c: {  	_ =	shalt  }
0x4d: {  	_ =	shalt  }
0x4e: {  	_ =	shalt  }
0x4f: {  	_ =	shalt  }
0x50: {  	_ =	shalt  }
0x51: {  	_ =	shalt  }
0x52: {  	_ =	shalt  }
0x53: {  	_ =	shalt  }
0x54: {  	_ =	shalt  }
0x55: {  	_ =	shalt  }
0x56: {  	_ =	shalt  }
0x57: {  	_ =	shalt  }
0x58: {  	_ =	shalt  }
0x59: {  	_ =	shalt  }
0x5a: {  	_ =	shalt  }
0x5b: {  	_ =	shalt  }
0x5c: {  	_ =	shalt  }
0x5d: {  	_ =	shalt  }
0x5e: {  	_ =	shalt  }
0x5f: {  	_ =	shalt  }
0x60: {  	_ =	shalt  }
0x61: {  	_ =	shalt  }
0x62: {  	_ =	shalt  }
0x63: {  	_ =	shalt  }
0x64: {  	_ =	shalt  }
0x65: {  	_ =	shalt  }
0x66: {  	_ =	shalt  }
0x67: {  	_ =	shalt  }
0x68: {  	_ =	shalt  }
0x69: {  	_ =	shalt  }
0x6a: {  	_ =	shalt  }
0x6b: {  	_ =	shalt  }
0x6c: {  	_ =	shalt  }
0x6d: {  	_ =	shalt  }
0x6e: {  	_ =	shalt  }
0x6f: {  	_ =	shalt  }
0x70: {  	_ =	shalt  }
0x71: {  	_ =	shalt  }
0x72: {  	_ =	shalt  }
0x73: {  	_ =	shalt  }
0x74: {  	_ =	shalt  }
0x75: {  	_ =	shalt  }
0x76: {  	_ =	shalt  }
0x77: {  	_ =	shalt  }
0x78: {  	_ =	shalt  }
0x79: {  	_ =	shalt  }
0x7a: {  	_ =	shalt  }
0x7b: {  	_ =	shalt  }
0x7c: {  	_ =	shalt  }
0x7d: {  	_ =	shalt  }
0x7e: {  	_ =	shalt  }
0x7f: {  	_ =	shalt  }
0x80: {  	_ =	shalt  }
0x81: {  	_ =	shalt  }
0x82: {  	_ =	shalt  }
0x83: {  	_ =	shalt  }
0x84: {  	_ =	shalt  }
0x85: {  	_ =	shalt  }
0x86: {  	_ =	shalt  }
0x87: {  	_ =	shalt  }
.Lfunc_end0:
.L_simem_size_0:
called_computation_lowered:
.L_overlay_start_0:
0x88: {  	s2 =	sld [smem:$0x3FD9]  }
0x89: {  	s3 =	sld [smem:$0x3FFE];
	_ =	sdelay $0x1  }
0x8a: {  	s1 =	srdreg.scid  }
0x8b: {  	s0 =	sand.u32 $0x1, s1  }
0x8c: {  	s17 =	sshll.u32 s0, $0xA;
	s2 =	sadd.s32 s3, s2  }
0x8d: {  	s2 =	sadd.s32 s2, s17  }
0x8e: {  	[smem:$0x3FC6] =	sst s2  }
0x8f: {  	_ = 	snop  }
0x90: {  	s2 =	sld [smem:$0x3FC9];
	(tm) =	ssettm $0x1  }
0x91: {  	s18 =	sld [smem:$0x3FFB];
	_ =	sdelay $0x3  }
0x92: {  	_ =	strace s18  }
0x93: {  	s3 =	sld [smem:$0x3FFC];
	_ =	sdelay $0x3  }
0x94: {  	_ =	strace s3  }
0x95: {  	s3 =	sld [smem:$0x3FFD];
	_ =	sdelay $0x3  }
0x96: {  	_ =	strace s3  }
0x97: {  	_ =	strace $0x8FFFFFFF  }
0x98: {  	s19 =	sld [smem:$0x3FDB];
	_ =	sdelay $0x1  }
0x99: {  	s4 =	simm.s32 $_scs_section_size  }
0x9a: {  	s5 =	simm.s32 $_size__tile_overlayer_lowered;
	s6 =	simm.s32 $_tile_overlayer_lowered  }
0x9b: {  	s22 =	simm.s32 $0x1BFF;
	s21 =	sshll.u32 s6, $0x1;
	s3 =	sadd.s32 s4, s19  }
0x9c: {  	s7 =	simm.s32 $0x0;
	s20 =	sshll.u32 s5, $0x1;
	s5 =	sadd.s32 s21, s3  }
0x9d: {  	[timem:s7], [sflag:s22] =	dma.local [hbm:s5], s20  }
0x9e: {  	_ =	swait.ge [sflag:s22], s20  }
0x9f: {  	s4 =	ssub.s32 $0x0, s20;
	[sflag:s22] =	ssyncset.done $0x0  }
0xa0: {  	[sflag:s22] =	ssyncadd.s32 s4;
	_ =	sdelay $0x1  }
0xa1: {  	s23 =	simm.s32 $0x1B8B  }
0xa2: {  	_ =	swait.ge [sflag:s23], $0x1  }
0xa3: {  	[sflag:s23] =	ssyncset.done $0x0  }
0xa4: {  	s25 =	simm.s32 $0x1B8E;
	s24 =	sld [smem:$0x3FFE];
	[sflag:s23] =	ssyncadd.s32 $0xFFFFFFFF  }
0xa5: {  	s26 =	simm.s32 $execute0_lowered;
	[smem:$0x3FD2] =	sst s25  }
0xa6: {  	s5 =	sshll.u32 s26, $0x1;
	_ =	strace $0x80000046;
	[dreg:$0x1] =	wrdreg $0xFFFFFFFF  }
0xa7: {  	s28 =	simm.s32 $_size_execute0_lowered;
	s3 =	sadd.s32 s3, s5;
	[dreg:$0x0] =	wrdreg $0x0  }
0xa8: {  	s5 =	sshll.u32 s28, $0x1;
	[dreg:$0x2] =	wrdreg s3  }
0xa9: {  	[dreg:$0x3] =	wrdreg s5  }
0xaa: {  	[dreg:$0x4] =	wrdreg $0xC0  }
0xab: {  	_ =	task [dreg:s7], $0x5FFFF  }
0xac: {  	[dreg:$0x1] =	wrdreg $0xFFFFFFFF  }
0xad: {  	[dreg:$0x0] =	wrdreg $0x60  }
0xae: {  	[dreg:$0x2] =	wrdreg s2  }
0xaf: {  	[dreg:$0x3] =	wrdreg s24  }
0xb0: {  	[dreg:$0x4] =	wrdreg $0x0  }
0xb1: {  	[dreg:$0x5] =	wrdreg $0x9  }
0xb2: {  	_ =	task.clear_ibuf [dreg:s7], $0x6FFFF;
	_ =	strace $0x90000046  }
0xb3: {  	s29 =	simm.s32 $0x9;
	_ =	strace $0x80000048  }
0xb4: {  	_ =	swait.ge [sflag:s29], $0x1  }
0xb5: {  	[sflag:s29] =	ssyncadd.s32 $0xFFFFFFFF  }
0xb6: {  	_ =	strace $0x90000048  }
0xb7: {  	_ =	sfence  }
0xb8: {  	s30 =	sld [smem:$0x0];
	_ =	sdelay $0x2  }
0xb9: {  	s31 =	sshll.u32 s1, $0xD;
	s1 =	sshrl.u32 s1, $0x2  }
0xba: {  	s3 =	sand.u32 $0x4000, s31;
	s1 =	sadd.s32 s1, s30  }
0xbb: {  	s0 =	sor.u32 s3, s0;
	s1 =	sshll.u32 s1, $0x11  }
0xbc: {  	s0 =	sor.u32 s1, s0  }
0xbd: {  	s0 =	sadd.s32 $0x8F2B, s0  }
0xbe: {  	[sflag:s0] =	ssyncadd.remote.s32 $0x1  }
0xbf: {  	_ =	sfence.sel $0xFFFF  }
0xc0: {  	[dreg:$0x0] =	wrdreg $0xFFFFFFFF;
	(pc) =	sbr.abs _section_cstart, $3  }
0xc1: {  	[dreg:$0x1] =	wrdreg $0xFFFFFFFF  }
0xc2: {  	_ =	task.clear_ibuf [dreg:s7], $0x2FFFF;
	_ =	strace $0x9FFFFFFF  }
0xc3: {  	(tm) =	ssettm $0x7FFFFFFF  }
tec
execute0_lowered:
.L_overlay_start_1:
0x0: {  	(tag) =	ssettag $0x1  }
0x1: {  	s0 =	rddreg [dreg:$0x1]  }
0x2: {  	s3 =	rddreg [dreg:$0x2];
	s1 =	srdreg.scid  }
0x3: {  	s7 =	stileid.u32;
	s4 =	simm.s32 $0x0;
	s9 =	simm.s32 $0x5  }
0x4: {  	s29 =	simm.s32 $0x19E60;
	s31 =	simm.s32 $0x14E60;
	s28 =	simm.s32 $0x16260  }
0x5: {  	s30 =	simm.s32 $0x17660;
	s11 =	simm.s32 $0x2;
	s16 =	simm.s32 $0x7  }
0x6: {  	s17 =	simm.s32 $0x8;
	s10 =	simm.s32 $0x9;
	s1 =	sand.u32 $0x1, s1  }
0x7: {  	s2 =	sshll.u32 s7, $0x1;
	[smem:$0x7FF] =	sst s4;
	s6 =	sadd.s32 $0x13C00, s0  }
0x8: {  	s20 =	smul.u32 $0x280, s7;
	p0 =	seq.s32 s7, $0xF;
	s7 =	simm.s32 $0x0  }
0x9: {  	s5 =	ssub.s32 $0x2, s1;
	s1 =	sor.u32 s1, s2;
	_ =	strace $0x80000047  }
0xa: {  	s2 =	simm.s32 $0x1B260;
	s18 =	sshrl.u32 s5, $0x1;
	s8 =	smul.u32 $0x2710, s1  }
0xb: {  	[dreg:$0x5] =	wrdreg s20;
	s19 =	ssub.s32 s5, s18;
	s5 =	simm.s32 $0x5  }
0xc: {  	s20 =	simm.s32 $0x1;
	s5 =	simm.s32 @!p0 $0x8;
	[dreg:$0x4] =	wrdreg s8  }
0xd: {  	s1 =	simm.s32 $0x3;
	s22 =	sadd.s32 $0x50, s8;
	[dreg:$0x6] =	wrdreg s5  }
0xe: {  	s18 =	simm.s32 $0xB;
	s23 =	sadd.s32 $0xA0, s8;
	[dreg:$0x9] =	wrdreg s22  }
0xf: {  	s21 =	sshrl.u32 s8, $0x3;
	s24 =	sadd.s32 $0xF0, s8;
	[dreg:$0xa] =	wrdreg s23  }
0x10: {  	s25 =	sadd.s32 $0x140, s8;
	s26 =	smax.u32 s19, $0x1;
	[dreg:$0xb] =	wrdreg s24  }
.Ltmp0:
0x11: {  	s19 =	simm.s32 $0xA;
	[dreg:$0xc] =	wrdreg s25;
	(pc) =	sbr.rel .LBB2_1-.Ltmp0, $4  }
0x12: {  	s0 =	sadd.s32 s0, s21;
	[dreg:$0xd] =	wrdreg s26;
	s22 =	simm.s32 $0x50  }
0x13: {  	s23 =	simm.s32 $0x12660;
	s24 =	simm.s32 $0x18A60;
	s26 =	simm.s32 $0x13A60  }
0x14: {  	v0 =	vlaneseq.u32;
	s25 =	simm.s32 $0x1DA60;
	[dreg:$0x7] =	wrdreg s0;
	s0 =	sadd.s32 $0x9E00, s0  }
0x15: {  	v1 =	vmul.u32 $0x40, v0;
	s21 =	simm.s32 $0x4;
	[dreg:$0x8] =	wrdreg s0;
	s0 =	simm.s32 $0x1C660  }
.LBB2_44:
0x16: {  	s5 =	simm.s32 $0x6  }
0x17: {  	_ =	swait.ge [sflag:s5], $0x50  }
0x18: {  	[sflag:s5] =	ssyncset.done $0x0  }
0x19: {  	[sflag:s5] =	ssyncadd.s32 $0xFFFFFFB0  }
0x1a: {  	_ =	swait.ge [sflag:s16], $0x50  }
0x1b: {  	[sflag:s16] =	ssyncset.done $0x0  }
0x1c: {  	[sflag:s16] =	ssyncadd.s32 $0xFFFFFFB0  }
0x1d: {  	_ =	swait.ge [sflag:s17], $0x50  }
0x1e: {  	[sflag:s17] =	ssyncset.done $0x0  }
0x1f: {  	[sflag:s17] =	ssyncadd.s32 $0xFFFFFFB0  }
0x20: {  	_ =	swait.ge [sflag:s10], $0x50  }
0x21: {  	[sflag:s10] =	ssyncset.done $0x0  }
0x22: {  	[sflag:s10] =	ssyncadd.s32 $0xFFFFFFB0  }
0x23: {  	_ =	swait.ge [sflag:s19], $0x50  }
0x24: {  	s7 =	rddreg [dreg:$0xe]  }
0x25: {  	s15 =	rddreg [dreg:$0xd];
	s7 =	sadd.s32 $0x1, s7  }
0x26: {  	p0 =	sne.s32 s7, s15  }
.Ltmp1:
0x27: {  	_ = 	snop;
	(pc) =	sbr.rel @!p0 .LBB2_45-.Ltmp1, $3  }
0x28: {  	_ =	sdelay $0x1  }
0x29: {  	[sflag:s19] =	ssyncset.done $0x0  }
0x2a: {  	[sflag:s19] =	ssyncadd.s32 $0xFFFFFFB0  }
.LBB2_1:
0x2b: {  	[dreg:$0xe] =	wrdreg s7;
	s5 =	simm.s32 $0x0  }
.LBB2_2:
0x2c: {  	s7 =	smul.u32 $0x50, s5  }
0x2d: {  	s8 =	rddreg [dreg:$0x5]  }
0x2e: {  	s7 =	sadd.s32 s8, s7  }
0x2f: {  	s12 =	rddreg [dreg:$0x0];
	s8 =	sshll.u32 s7, $0x4  }
0x30: {  	s15 =	simm.s32 $0x0;
	s13 =	simm.s32 $0xEA60;
	s8 =	sadd.s32 s12, s8  }
0x31: {  	[tilespmem:s13], [sflag:$0xB] =	stream.linear.gather [hbm4b:s8+s15], $0x2800, $0x38;
	[tilespmem:$0x1EFF0] =	vst v63  }
0x32: {  	_ =	swait.ge [sflag:s18], $0x2800  }
0x33: {  	[sflag:s18] =	ssyncset.done $0x0  }
0x34: {  	s8 =	simm.s32 $0xEAA0;
	[sflag:s18] =	ssyncadd.s32 $0xFFFFD800  }
0x35: {  	v2 =	vld [tilespmem:s8+$0xFFFFFFC0]  }
0x36: {  	v3 =	vld [tilespmem:s8+$0xFFFFFFD0];
	_ =	sdelay $0x4  }
0x37: {  	s12 =	simm.s32 $0x0;
	v2 =	vpack.i.f32.bf16 v3, v2  }
0x38: {  	[tilespmem:s12+$0x11260] =	vst v2  }
0x39: {  	v2 =	vld [tilespmem:s8+$0xFFFFFFE0]  }
0x3a: {  	v3 =	vld [tilespmem:s8+$0xFFFFFFF0];
	_ =	sdelay $0x4  }
0x3b: {  	v2 =	vpack.i.f32.bf16 v3, v2  }
0x3c: {  	[tilespmem:s12+$0x11270] =	vst v2  }
0x3d: {  	v2 =	vld [tilespmem:s8+$0x0]  }
0x3e: {  	v3 =	vld [tilespmem:s8+$0x10];
	_ =	sdelay $0x4  }
0x3f: {  	v2 =	vpack.i.f32.bf16 v3, v2  }
0x40: {  	[tilespmem:s12+$0x11280] =	vst v2  }
0x41: {  	v2 =	vld [tilespmem:s8+$0x20]  }
0x42: {  	s13 =	simm.s32 $0x100;
	v3 =	vld [tilespmem:s8+$0x30]  }
.LBB2_3:
0x43: {  	_ = 	snop  }
0x44: {  	p0 =	sne.s32 s13, $0x4F00  }
0x45: {  	s8 =	sadd.s32 $0x80, s8;
	s14 =	smov.u32 s13;
	s13 =	sadd.s32 $0x100, s13  }
0x46: {  	_ = 	snop  }
0x47: {  	v2 =	vpack.i.f32.bf16 v3, v2  }
0x48: {  	[tilespmem:s12+$0x11290] =	vst v2  }
0x49: {  	v2 =	vld [tilespmem:s8+$0xFFFFFFC0]  }
0x4a: {  	v3 =	vld [tilespmem:s8+$0xFFFFFFD0];
	_ =	sdelay $0x4  }
0x4b: {  	s12 =	sshra.s32 s14, $0x2;
	v2 =	vpack.i.f32.bf16 v3, v2  }
0x4c: {  	[tilespmem:s12+$0x11260] =	vst v2  }
0x4d: {  	v2 =	vld [tilespmem:s8+$0xFFFFFFE0]  }
0x4e: {  	v3 =	vld [tilespmem:s8+$0xFFFFFFF0];
	_ =	sdelay $0x4  }
0x4f: {  	v2 =	vpack.i.f32.bf16 v3, v2  }
0x50: {  	[tilespmem:s12+$0x11270] =	vst v2  }
0x51: {  	v2 =	vld [tilespmem:s8+$0x0]  }
0x52: {  	v3 =	vld [tilespmem:s8+$0x10];
	_ =	sdelay $0x3  }
.Ltmp2:
0x53: {  	(pc) =	sbr.rel @p0 .LBB2_3-.Ltmp2, $4  }
0x54: {  	v2 =	vpack.i.f32.bf16 v3, v2  }
0x55: {  	[tilespmem:s12+$0x11280] =	vst v2  }
0x56: {  	v2 =	vld [tilespmem:s8+$0x20]  }
0x57: {  	v3 =	vld [tilespmem:s8+$0x30]  }
0x58: {  	_ =	sdelay $0x2  }
0x59: {  	s7 =	sshll.u32 s7, $0x8  }
0x5a: {  	s7 =	sshra.s32 s7, $0x2;
	v2 =	vpack.i.f32.bf16 v3, v2  }
0x5b: {  	s8 =	simm.s32 $0x11260;
	s7 =	sadd.s32 s7, s3;
	[tilespmem:s12+$0x11290] =	vst v2  }
0x5c: {  	[spmem:s7] =	stream.linear.scatter [tilespmem:s8], [sflag:$0xB], $0x1400, $0x38;
	[tilespmem:$0x1EFF0] =	vst v63  }
0x5d: {  	_ =	swait.ge [sflag:s18], $0x1400  }
0x5e: {  	s5 =	sadd.s32 $0x1, s5;
	s15 =	rddreg [dreg:$0x6]  }
0x5f: {  	p0 =	sne.s32 s5, s15  }
.Ltmp3:
0x60: {  	_ = 	snop;
	(pc) =	sbr.rel @p0 .LBB2_2-.Ltmp3, $3  }
0x61: {  	_ =	sdelay $0x1  }
0x62: {  	[sflag:s18] =	ssyncset.done $0x0  }
0x63: {  	[sflag:s18] =	ssyncadd.s32 $0xFFFFEC00  }
0x64: {  	[bflag:$0x0] =	sbarrier.arrive $0xFFFF  }
0x65: {  	s7 =	simm.s32 $0x0;
	s8 =	simm.s32 $0x9C40;
	s5 =	rddreg [dreg:$0x8]  }
0x66: {  	[tilespmem:s8], [sflag:$0xB] =	stream.linear.gather [hbm4b:s5+s7], $0x2710, $0x38;
	[tilespmem:$0x1EFF0] =	vst v63  }
0x67: {  	_ =	swait.ge [sflag:s18], $0x2710  }
0x68: {  	[sflag:s18] =	ssyncset.done $0x0  }
0x69: {  	s12 =	simm.s32 $0xC350;
	s15 =	rddreg [dreg:$0x7];
	[sflag:s18] =	ssyncadd.s32 $0xFFFFD8F0  }
0x6a: {  	[tilespmem:s12], [sflag:$0xB] =	stream.linear.gather [hbm4b:s15+s7], $0x2710, $0x38;
	[tilespmem:$0x1EFF0] =	vst v63  }
0x6b: {  	_ =	swait.ge [sflag:s18], $0x2710  }
0x6c: {  	[sflag:s18] =	ssyncset.done $0x0  }
0x6d: {  	[sflag:s18] =	ssyncadd.s32 $0xFFFFD8F0  }
0x6e: {  	[tilespmem:s23], [sflag:$0x1] =	stream.indirect.gather [spmem:s3], $0x40, s8, s22, $0xb8;
	[tilespmem:$0x1EFF0] =	vst v63  }
0x6f: {  	_ = 	snop  }
0x70: {  	[tilespmem:s24], [sflag:$0x1] =	stream.indirect.gather [spmem:s3], $0x40, s12, s22, $0xb8;
	[tilespmem:$0x1EFF0] =	vst v63  }
0x71: {  	s13 =	simm.s32 $0x9C90  }
0x72: {  	[tilespmem:s26], [sflag:$0x2] =	stream.indirect.gather [spmem:s3], $0x40, s13, s22, $0xb8;
	[tilespmem:$0x1EFF0] =	vst v63  }
0x73: {  	s14 =	simm.s32 $0xC3A0  }
0x74: {  	[tilespmem:s29], [sflag:$0x2] =	stream.indirect.gather [spmem:s3], $0x40, s14, s22, $0xb8;
	[tilespmem:$0x1EFF0] =	vst v63  }
0x75: {  	s15 =	simm.s32 $0x9CE0  }
0x76: {  	[tilespmem:s31], [sflag:$0x3] =	stream.indirect.gather [spmem:s3], $0x40, s15, s22, $0xb8;
	[tilespmem:$0x1EFF0] =	vst v63  }
0x77: {  	s8 =	simm.s32 $0xC3F0  }
0x78: {  	[tilespmem:s2], [sflag:$0x3] =	stream.indirect.gather [spmem:s3], $0x40, s8, s22, $0xb8;
	[tilespmem:$0x1EFF0] =	vst v63  }
0x79: {  	s12 =	simm.s32 $0x9D30  }
0x7a: {  	[tilespmem:s28], [sflag:$0x4] =	stream.indirect.gather [spmem:s3], $0x40, s12, s22, $0xb8;
	[tilespmem:$0x1EFF0] =	vst v63  }
0x7b: {  	s13 =	simm.s32 $0xC440  }
0x7c: {  	[tilespmem:s0], [sflag:$0x4] =	stream.indirect.gather [spmem:s3], $0x40, s13, s22, $0xb8;
	[tilespmem:$0x1EFF0] =	vst v63  }
0x7d: {  	s14 =	simm.s32 $0x9D80  }
0x7e: {  	[tilespmem:s30], [sflag:$0x5] =	stream.indirect.gather [spmem:s3], $0x40, s14, s22, $0xb8;
	[tilespmem:$0x1EFF0] =	vst v63  }
0x7f: {  	s15 =	simm.s32 $0xC490  }
0x80: {  	[tilespmem:s25], [sflag:$0x5] =	stream.indirect.gather [spmem:s3], $0x40, s15, s22, $0xb8;
	[tilespmem:$0x1EFF0] =	vst v63  }
.LBB2_6:
0x81: {  	_ =	swait.ge [sflag:s20], $0x2800  }
0x82: {  	p0 =	seq.s32 s7, $0x0;
	[sflag:s20] =	ssyncset.done $0x0  }
0x83: {  	s5 =	simm.s32 @!p0 $0x6;
	[sflag:s20] =	ssyncadd.s32 $0xFFFFD800  }
0x84: {  	_ =	swait.ge @!p0 [sflag:s5], $0x50  }
0x85: {  	[sflag:s5] =	ssyncset.done @!p0 $0x0  }
0x86: {  	[sflag:s5] =	ssyncadd.s32 @!p0 $0xFFFFFFB0;
	s5 =	simm.s32 $0x0  }
.LBB2_7:
0x87: {  	s8 =	sshll.u32 s5, $0x4  }
0x88: {  	s12 =	simm.s32 $0x0;
	v2 =	vmov s8  }
0x89: {  	v3 =	vadd.s32 s12, v0;
	v2 =	vshll.u32 v2, $0x6  }
0x8a: {  	s15 =	simm.s32 $0x1;
	v3 =	vand.u32 $0x3F, v3;
	v2 =	vor.u32 v1, v2  }
0x8b: {  	v4 =	vadd.s32 s15, v0;
	v3 =	vor.u32 v2, v3  }
0x8c: {  	v4 =	vand.u32 $0x3F, v4  }
0x8d: {  	v4 =	vor.u32 v2, v4  }
0x8e: {  	s13 =	simm.s32 $0x2  }
0x8f: {  	v5 =	vadd.s32 s13, v0  }
0x90: {  	s14 =	simm.s32 $0x3;
	v5 =	vand.u32 $0x3F, v5;
	v6 =	vld.idx.msk [tilespmem:v3+s23+$0x0], $0xffff  }
0x91: {  	v7 =	vadd.s32 s14, v0;
	v5 =	vor.u32 v2, v5;
	v3 =	vld.idx.msk [tilespmem:v3+s24+$0x0], $0xffff  }
0x92: {  	v7 =	vand.u32 $0x3F, v7;
	v8 =	vld.idx.msk [tilespmem:v4+s23+$0x0], $0xffff  }
0x93: {  	s15 =	simm.s32 $0x4;
	v7 =	vor.u32 v2, v7;
	v4 =	vld.idx.msk [tilespmem:v4+s24+$0x0], $0xffff  }
0x94: {  	v9 =	vadd.s32 s15, v0  }
0x95: {  	s13 =	simm.s32 $0x5;
	v9 =	vand.u32 $0x3F, v9  }
0x96: {  	v11 =	vadd.s32 s13, v0;
	v9 =	vor.u32 v2, v9;
	v10 =	vld.idx.msk [tilespmem:v5+s23+$0x0], $0xffff  }
0x97: {  	v12 =	vld.idx.msk [tilespmem:v5+s24+$0x0], $0xffff;
	v5 =	vand.u32 $0x3F, v11;
	v6 =	vmul.bf16 v3, v6  }
0x98: {  	s14 =	simm.s32 $0x6;
	v13 =	vld.idx.msk [tilespmem:v7+s23+$0x0], $0xffff;
	v14 =	vor.u32 v2, v5;
	v4 =	vmul.bf16 v4, v8  }
0x99: {  	v15 =	vld.idx.msk [tilespmem:v7+s24+$0x0], $0xffff;
	v5 =	vadd.s32 s14, v0;
	v7 =	vunpack.i.u.bf16.f32 v6  }
0x9a: {  	v6 =	vunpack.i.l.bf16.f32 v6;
	v8 =	vunpack.i.u.bf16.f32 v4;
	v11 =	vunpack.i.l.bf16.f32 v4  }
0x9b: {  	s15 =	simm.s32 $0x7;
	v16 =	vand.u32 $0x3F, v5;
	v5 =	vld.idx.msk [tilespmem:v9+s24+$0x0], $0xffff;
	v7 =	vadd.f32 v6, v7;
	v8 =	vadd.f32 v11, v8  }
0x9c: {  	v4 =	vld.idx.msk [tilespmem:v9+s23+$0x0], $0xffff;
	v9 =	vor.u32 v2, v16;
	v6 =	vadd.s32 s15, v0  }
0x9d: {  	v11 =	vmul.bf16 v12, v10;
	v63 =	vand.u32 $0x3F, v6;
	v6 =	vld.idx.msk [tilespmem:v14+s23+$0x0], $0xffff;
	v10 =	vadd.f32 v8, v7  }
0x9e: {  	s12 =	simm.s32 $0x8;
	v3 =	vimm.f32 $0.0e+00;
	v12 =	vmul.bf16 v15, v13;
	v7 =	vor.u32 v2, v63;
	v8 =	vld.idx.msk [tilespmem:v14+s24+$0x0], $0xffff  }
.LBB2_8:
0x9f: {  	v13 =	vadd.s32 s12, v0;
	v14 =	vunpack.i.u.bf16.f32 v11;
	v3 =	vadd.f32 v10, v3;
	p1 =	sne.s32 s12, $0x3E  }
.Ltmp4:
0xa0: {  	v10 =	vunpack.i.l.bf16.f32 v11;
	v17 =	vunpack.i.u.bf16.f32 v12;
	v12 =	vunpack.i.l.bf16.f32 v12;
	(pc) =	sbr.rel @p1 .LBB2_8-.Ltmp4, $4  }
0xa1: {  	s13 =	sadd.s32 $0x1, s12;
	v13 =	vand.u32 $0x3F, v13;
	v10 =	vadd.f32 v10, v14;
	v11 =	vmovc v4;
	v16 =	vadd.f32 v12, v17;
	v4 =	vld.idx.msk [tilespmem:v9+s23+$0x0], $0xffff  }
0xa2: {  	s12 =	sadd.s32 $0x2, s12;
	v14 =	vadd.s32 s13, v0;
	v15 =	vmov v5;
	v5 =	vld.idx.msk [tilespmem:v9+s24+$0x0], $0xffff;
	v9 =	vor.u32 v2, v13  }
0xa3: {  	v13 =	vand.u32 $0x3F, v14;
	v11 =	vmul.bf16 v15, v11;
	v10 =	vadd.f32 v16, v10;
	v12 =	vmovc v6;
	v6 =	vld.idx.msk [tilespmem:v7+s23+$0x0], $0xffff  }
0xa4: {  	v12 =	vmul.bf16 v8, v12;
	v8 =	vld.idx.msk [tilespmem:v7+s24+$0x0], $0xffff;
	v7 =	vor.u32 v2, v13  }
0xa5: {  	_ =	sdelay $0x3  }
0xa6: {  	v2 =	vld.idx.msk [tilespmem:v9+s23+$0x0], $0xffff  }
0xa7: {  	v55 =	vld.idx.msk [tilespmem:v9+s24+$0x0], $0xffff  }
0xa8: {  	v15 =	vld.idx.msk [tilespmem:v7+s23+$0x0], $0xffff  }
0xa9: {  	v13 =	vunpack.i.u.bf16.f32 v11;
	v58 =	vld.idx.msk [tilespmem:v7+s24+$0x0], $0xffff  }
0xaa: {  	v56 =	vunpack.i.l.bf16.f32 v11;
	v14 =	vunpack.i.u.bf16.f32 v12;
	v57 =	vunpack.i.l.bf16.f32 v12  }
0xab: {  	v11 =	vadd.f32 v56, v13;
	v12 =	vadd.f32 v57, v14;
	v4 =	vmul.bf16 v5, v4  }
0xac: {  	v3 =	vadd.f32 v10, v3;
	v6 =	vmul.bf16 v8, v6  }
0xad: {  	v59 =	vadd.f32 v12, v11;
	v60 =	vunpack.i.u.bf16.f32 v4;
	v4 =	vunpack.i.l.bf16.f32 v4  }
0xae: {  	v4 =	vadd.f32 v4, v60;
	v2 =	vmul.bf16 v55, v2;
	v5 =	vmul.bf16 v58, v15  }
0xaf: {  	v61 =	vunpack.i.u.bf16.f32 v6;
	v6 =	vunpack.i.l.bf16.f32 v6;
	v3 =	vadd.f32 v59, v3  }
0xb0: {  	v6 =	vadd.f32 v6, v61;
	v62 =	vunpack.i.u.bf16.f32 v2;
	v2 =	vunpack.i.l.bf16.f32 v2  }
0xb1: {  	v63 =	vunpack.i.u.bf16.f32 v5;
	v5 =	vunpack.i.l.bf16.f32 v5;
	v2 =	vadd.f32 v2, v62  }
0xb2: {  	s5 =	sadd.s32 $0x1, s5;
	v5 =	vadd.f32 v5, v63;
	v4 =	vadd.f32 v6, v4  }
0xb3: {  	p1 =	sne.s32 s5, $0x5  }
.Ltmp5:
0xb4: {  	v2 =	vadd.f32 v5, v2;
	v3 =	vadd.f32 v4, v3;
	(pc) =	sbr.rel @p1 .LBB2_7-.Ltmp5, $3  }
0xb5: {  	_ = 	snop  }
0xb6: {  	v2 =	vadd.f32 v2, v3;
	_ =	sdelay $0x1  }
0xb7: {  	[tilespmem:s8+$0x1EE60] =	vst v2  }
0xb8: {  	s5 =	smul.u32 $0x190, s7;
	p1 =	sne.s32 s7, $0x18  }
.Ltmp6:
0xb9: {  	s8 =	rddreg [dreg:$0x4];
	(pc) =	sbr.rel @p1 .LBB2_12-.Ltmp6, $4  }
0xba: {  	s8 =	sadd.s32 s8, s5  }
0xbb: {  	s8 =	sshrl.u32 s8, $0x3  }
0xbc: {  	s12 =	simm.s32 $0x1EE60;
	s8 =	sadd.s32 s6, s8  }
0xbd: {  	[hbm4b:s8+s4] =	stream.linear.scatter [tilespmem:s12], [sflag:$0x6], $0x50, $0x38;
	[tilespmem:$0x1EFF0] =	vst v63  }
.Ltmp7:
0xbe: {  	(pc) =	sbr.rel .LBB2_13-.Ltmp7, $4  }
0xbf: {  	_ = 	snop  }
0xc0: {  	_ =	swait.ge [sflag:s11], $0x2800  }
0xc1: {  	[sflag:s11] =	ssyncset.done $0x0  }
0xc2: {  	[sflag:s11] =	ssyncadd.s32 $0xFFFFD800  }
.LBB2_12:
0xc3: {  	s8 =	sadd.s32 $0x9DD0, s5  }
0xc4: {  	[tilespmem:s23], [sflag:$0x1] =	stream.indirect.gather [spmem:s3], $0x40, s8, s22, $0xb8;
	[tilespmem:$0x1EFF0] =	vst v63  }
.Ltmp8:
0xc5: {  	s15 =	sadd.s32 $0xC4E0, s5;
	(pc) =	sbr.rel @p0 .LBB2_14-.Ltmp8, $4  }
0xc6: {  	[tilespmem:s24], [sflag:$0x1] =	stream.indirect.gather [spmem:s3], $0x40, s15, s22, $0xb8;
	[tilespmem:$0x1EFF0] =	vst v63  }
0xc7: {  	_ =	swait.ge [sflag:s11], $0x2800  }
0xc8: {  	[sflag:s11] =	ssyncset.done $0x0  }
0xc9: {  	[sflag:s11] =	ssyncadd.s32 $0xFFFFD800  }
.LBB2_13:
0xca: {  	_ =	swait.ge [sflag:s16], $0x50  }
0xcb: {  	[sflag:s16] =	ssyncset.done $0x0  }
0xcc: {  	[sflag:s16] =	ssyncadd.s32 $0xFFFFFFB0  }
.LBB2_14:
0xcd: {  	s8 =	simm.s32 $0x0;
	s12 =	simm.s32 $0x0  }
.LBB2_15:
0xce: {  	s13 =	sshll.u32 s12, $0x4  }
0xcf: {  	v2 =	vmov s13  }
0xd0: {  	v3 =	vadd.s32 s8, v0;
	v2 =	vshll.u32 v2, $0x6  }
0xd1: {  	s14 =	simm.s32 $0x1;
	v3 =	vand.u32 $0x3F, v3;
	v2 =	vor.u32 v1, v2  }
0xd2: {  	v4 =	vadd.s32 s14, v0;
	v3 =	vor.u32 v2, v3  }
0xd3: {  	v4 =	vand.u32 $0x3F, v4  }
0xd4: {  	v4 =	vor.u32 v2, v4  }
0xd5: {  	s15 =	simm.s32 $0x2  }
0xd6: {  	v5 =	vadd.s32 s15, v0  }
0xd7: {  	s15 =	simm.s32 $0x3;
	v5 =	vand.u32 $0x3F, v5;
	v6 =	vld.idx.msk [tilespmem:v3+s26+$0x0], $0xffff  }
0xd8: {  	v7 =	vadd.s32 s15, v0;
	v5 =	vor.u32 v2, v5;
	v3 =	vld.idx.msk [tilespmem:v3+s29+$0x0], $0xffff  }
0xd9: {  	v7 =	vand.u32 $0x3F, v7;
	v8 =	vld.idx.msk [tilespmem:v4+s26+$0x0], $0xffff  }
0xda: {  	s15 =	simm.s32 $0x4;
	v7 =	vor.u32 v2, v7;
	v4 =	vld.idx.msk [tilespmem:v4+s29+$0x0], $0xffff  }
0xdb: {  	v9 =	vadd.s32 s15, v0  }
0xdc: {  	s15 =	simm.s32 $0x5;
	v9 =	vand.u32 $0x3F, v9  }
0xdd: {  	v11 =	vadd.s32 s15, v0;
	v9 =	vor.u32 v2, v9;
	v10 =	vld.idx.msk [tilespmem:v5+s26+$0x0], $0xffff  }
0xde: {  	v12 =	vld.idx.msk [tilespmem:v5+s29+$0x0], $0xffff;
	v5 =	vand.u32 $0x3F, v11;
	v6 =	vmul.bf16 v3, v6  }
0xdf: {  	s15 =	simm.s32 $0x6;
	v13 =	vld.idx.msk [tilespmem:v7+s26+$0x0], $0xffff;
	v14 =	vor.u32 v2, v5;
	v4 =	vmul.bf16 v4, v8  }
0xe0: {  	v15 =	vld.idx.msk [tilespmem:v7+s29+$0x0], $0xffff;
	v5 =	vadd.s32 s15, v0;
	v7 =	vunpack.i.u.bf16.f32 v6  }
0xe1: {  	v6 =	vunpack.i.l.bf16.f32 v6;
	v8 =	vunpack.i.u.bf16.f32 v4;
	v11 =	vunpack.i.l.bf16.f32 v4  }
0xe2: {  	s15 =	simm.s32 $0x7;
	v16 =	vand.u32 $0x3F, v5;
	v5 =	vld.idx.msk [tilespmem:v9+s29+$0x0], $0xffff;
	v7 =	vadd.f32 v6, v7;
	v8 =	vadd.f32 v11, v8  }
0xe3: {  	v4 =	vld.idx.msk [tilespmem:v9+s26+$0x0], $0xffff;
	v9 =	vor.u32 v2, v16;
	v6 =	vadd.s32 s15, v0  }
0xe4: {  	v11 =	vmul.bf16 v12, v10;
	v63 =	vand.u32 $0x3F, v6;
	v6 =	vld.idx.msk [tilespmem:v14+s26+$0x0], $0xffff;
	v10 =	vadd.f32 v8, v7  }
0xe5: {  	s14 =	simm.s32 $0x8;
	v3 =	vimm.f32 $0.0e+00;
	v12 =	vmul.bf16 v15, v13;
	v7 =	vor.u32 v2, v63;
	v8 =	vld.idx.msk [tilespmem:v14+s29+$0x0], $0xffff  }
.LBB2_16:
0xe6: {  	v13 =	vadd.s32 s14, v0;
	v14 =	vunpack.i.u.bf16.f32 v11;
	v3 =	vadd.f32 v10, v3;
	p2 =	sne.s32 s14, $0x3E  }
.Ltmp9:
0xe7: {  	v10 =	vunpack.i.l.bf16.f32 v11;
	v17 =	vunpack.i.u.bf16.f32 v12;
	v12 =	vunpack.i.l.bf16.f32 v12;
	(pc) =	sbr.rel @p2 .LBB2_16-.Ltmp9, $4  }
0xe8: {  	s15 =	sadd.s32 $0x1, s14;
	v13 =	vand.u32 $0x3F, v13;
	v10 =	vadd.f32 v10, v14;
	v11 =	vmovc v4;
	v16 =	vadd.f32 v12, v17;
	v4 =	vld.idx.msk [tilespmem:v9+s26+$0x0], $0xffff  }
0xe9: {  	s14 =	sadd.s32 $0x2, s14;
	v14 =	vadd.s32 s15, v0;
	v15 =	vmov v5;
	v5 =	vld.idx.msk [tilespmem:v9+s29+$0x0], $0xffff;
	v9 =	vor.u32 v2, v13  }
0xea: {  	v13 =	vand.u32 $0x3F, v14;
	v11 =	vmul.bf16 v15, v11;
	v10 =	vadd.f32 v16, v10;
	v12 =	vmovc v6;
	v6 =	vld.idx.msk [tilespmem:v7+s26+$0x0], $0xffff  }
0xeb: {  	v12 =	vmul.bf16 v8, v12;
	v8 =	vld.idx.msk [tilespmem:v7+s29+$0x0], $0xffff;
	v7 =	vor.u32 v2, v13  }
0xec: {  	_ =	sdelay $0x3  }
0xed: {  	v2 =	vld.idx.msk [tilespmem:v9+s26+$0x0], $0xffff  }
0xee: {  	v55 =	vld.idx.msk [tilespmem:v9+s29+$0x0], $0xffff  }
0xef: {  	v15 =	vld.idx.msk [tilespmem:v7+s26+$0x0], $0xffff  }
0xf0: {  	v13 =	vunpack.i.u.bf16.f32 v11;
	v58 =	vld.idx.msk [tilespmem:v7+s29+$0x0], $0xffff  }
0xf1: {  	v56 =	vunpack.i.l.bf16.f32 v11;
	v14 =	vunpack.i.u.bf16.f32 v12;
	v57 =	vunpack.i.l.bf16.f32 v12  }
0xf2: {  	v11 =	vadd.f32 v56, v13;
	v12 =	vadd.f32 v57, v14;
	v4 =	vmul.bf16 v5, v4  }
0xf3: {  	v3 =	vadd.f32 v10, v3;
	v6 =	vmul.bf16 v8, v6  }
0xf4: {  	v59 =	vadd.f32 v12, v11;
	v60 =	vunpack.i.u.bf16.f32 v4;
	v4 =	vunpack.i.l.bf16.f32 v4  }
0xf5: {  	v4 =	vadd.f32 v4, v60;
	v2 =	vmul.bf16 v55, v2;
	v5 =	vmul.bf16 v58, v15  }
0xf6: {  	v61 =	vunpack.i.u.bf16.f32 v6;
	v6 =	vunpack.i.l.bf16.f32 v6;
	v3 =	vadd.f32 v59, v3  }
0xf7: {  	v6 =	vadd.f32 v6, v61;
	v62 =	vunpack.i.u.bf16.f32 v2;
	v2 =	vunpack.i.l.bf16.f32 v2  }
0xf8: {  	v63 =	vunpack.i.u.bf16.f32 v5;
	v5 =	vunpack.i.l.bf16.f32 v5;
	v2 =	vadd.f32 v2, v62  }
0xf9: {  	s12 =	sadd.s32 $0x1, s12;
	v5 =	vadd.f32 v5, v63;
	v4 =	vadd.f32 v6, v4  }
0xfa: {  	p2 =	sne.s32 s12, $0x5  }
.Ltmp10:
0xfb: {  	v2 =	vadd.f32 v5, v2;
	v3 =	vadd.f32 v4, v3;
	(pc) =	sbr.rel @p2 .LBB2_15-.Ltmp10, $3  }
0xfc: {  	_ = 	snop  }
0xfd: {  	v2 =	vadd.f32 v2, v3;
	_ =	sdelay $0x1  }
0xfe: {  	[tilespmem:s13+$0x1EEB0] =	vst v2  }
.Ltmp11:
0xff: {  	s8 =	rddreg [dreg:$0x9];
	(pc) =	sbr.rel @p1 .LBB2_20-.Ltmp11, $4  }
0x100: {  	s8 =	sadd.s32 s5, s8  }
0x101: {  	s8 =	sshrl.u32 s8, $0x3  }
0x102: {  	s12 =	simm.s32 $0x1EEB0;
	s8 =	sadd.s32 s6, s8  }
0x103: {  	[hbm4b:s8+s4] =	stream.linear.scatter [tilespmem:s12], [sflag:$0x7], $0x50, $0x38;
	[tilespmem:$0x1EFF0] =	vst v63  }
.Ltmp12:
0x104: {  	(pc) =	sbr.rel .LBB2_21-.Ltmp12, $4  }
0x105: {  	_ = 	snop  }
0x106: {  	_ =	swait.ge [sflag:s1], $0x2800  }
0x107: {  	[sflag:s1] =	ssyncset.done $0x0  }
0x108: {  	[sflag:s1] =	ssyncadd.s32 $0xFFFFD800  }
.LBB2_20:
0x109: {  	s8 =	sadd.s32 $0x9E20, s5  }
0x10a: {  	[tilespmem:s26], [sflag:$0x2] =	stream.indirect.gather [spmem:s3], $0x40, s8, s22, $0xb8;
	[tilespmem:$0x1EFF0] =	vst v63  }
.Ltmp13:
0x10b: {  	s15 =	sadd.s32 $0xC530, s5;
	(pc) =	sbr.rel @p0 .LBB2_22-.Ltmp13, $4  }
0x10c: {  	[tilespmem:s29], [sflag:$0x2] =	stream.indirect.gather [spmem:s3], $0x40, s15, s22, $0xb8;
	[tilespmem:$0x1EFF0] =	vst v63  }
0x10d: {  	_ =	swait.ge [sflag:s1], $0x2800  }
0x10e: {  	[sflag:s1] =	ssyncset.done $0x0  }
0x10f: {  	[sflag:s1] =	ssyncadd.s32 $0xFFFFD800  }
.LBB2_21:
0x110: {  	_ =	swait.ge [sflag:s17], $0x50  }
0x111: {  	[sflag:s17] =	ssyncset.done $0x0  }
0x112: {  	[sflag:s17] =	ssyncadd.s32 $0xFFFFFFB0  }
.LBB2_22:
0x113: {  	s8 =	simm.s32 $0x0;
	s12 =	simm.s32 $0x0  }
.LBB2_23:
0x114: {  	s13 =	sshll.u32 s12, $0x4  }
0x115: {  	v2 =	vmov s13  }
0x116: {  	v3 =	vadd.s32 s8, v0;
	v2 =	vshll.u32 v2, $0x6  }
0x117: {  	s14 =	simm.s32 $0x1;
	v3 =	vand.u32 $0x3F, v3;
	v2 =	vor.u32 v1, v2  }
0x118: {  	v4 =	vadd.s32 s14, v0;
	v3 =	vor.u32 v2, v3  }
0x119: {  	v4 =	vand.u32 $0x3F, v4  }
0x11a: {  	v4 =	vor.u32 v2, v4  }
0x11b: {  	s15 =	simm.s32 $0x2  }
0x11c: {  	v5 =	vadd.s32 s15, v0  }
0x11d: {  	s15 =	simm.s32 $0x3;
	v5 =	vand.u32 $0x3F, v5;
	v6 =	vld.idx.msk [tilespmem:v3+s31+$0x0], $0xffff  }
0x11e: {  	v7 =	vadd.s32 s15, v0;
	v5 =	vor.u32 v2, v5;
	v3 =	vld.idx.msk [tilespmem:v3+s2+$0x0], $0xffff  }
0x11f: {  	v7 =	vand.u32 $0x3F, v7;
	v8 =	vld.idx.msk [tilespmem:v4+s31+$0x0], $0xffff  }
0x120: {  	s15 =	simm.s32 $0x4;
	v7 =	vor.u32 v2, v7;
	v4 =	vld.idx.msk [tilespmem:v4+s2+$0x0], $0xffff  }
0x121: {  	v9 =	vadd.s32 s15, v0  }
0x122: {  	s15 =	simm.s32 $0x5;
	v9 =	vand.u32 $0x3F, v9  }
0x123: {  	v11 =	vadd.s32 s15, v0;
	v9 =	vor.u32 v2, v9;
	v10 =	vld.idx.msk [tilespmem:v5+s31+$0x0], $0xffff  }
0x124: {  	v12 =	vld.idx.msk [tilespmem:v5+s2+$0x0], $0xffff;
	v5 =	vand.u32 $0x3F, v11;
	v6 =	vmul.bf16 v3, v6  }
0x125: {  	s15 =	simm.s32 $0x6;
	v13 =	vld.idx.msk [tilespmem:v7+s31+$0x0], $0xffff;
	v14 =	vor.u32 v2, v5;
	v4 =	vmul.bf16 v4, v8  }
0x126: {  	v15 =	vld.idx.msk [tilespmem:v7+s2+$0x0], $0xffff;
	v5 =	vadd.s32 s15, v0;
	v7 =	vunpack.i.u.bf16.f32 v6  }
0x127: {  	v6 =	vunpack.i.l.bf16.f32 v6;
	v8 =	vunpack.i.u.bf16.f32 v4;
	v11 =	vunpack.i.l.bf16.f32 v4  }
0x128: {  	s15 =	simm.s32 $0x7;
	v16 =	vand.u32 $0x3F, v5;
	v5 =	vld.idx.msk [tilespmem:v9+s2+$0x0], $0xffff;
	v7 =	vadd.f32 v6, v7;
	v8 =	vadd.f32 v11, v8  }
0x129: {  	v4 =	vld.idx.msk [tilespmem:v9+s31+$0x0], $0xffff;
	v9 =	vor.u32 v2, v16;
	v6 =	vadd.s32 s15, v0  }
0x12a: {  	v11 =	vmul.bf16 v12, v10;
	v63 =	vand.u32 $0x3F, v6;
	v6 =	vld.idx.msk [tilespmem:v14+s31+$0x0], $0xffff;
	v10 =	vadd.f32 v8, v7  }
0x12b: {  	s14 =	simm.s32 $0x8;
	v3 =	vimm.f32 $0.0e+00;
	v12 =	vmul.bf16 v15, v13;
	v7 =	vor.u32 v2, v63;
	v8 =	vld.idx.msk [tilespmem:v14+s2+$0x0], $0xffff  }
.LBB2_24:
0x12c: {  	v13 =	vadd.s32 s14, v0;
	v14 =	vunpack.i.u.bf16.f32 v11;
	v3 =	vadd.f32 v10, v3;
	p2 =	sne.s32 s14, $0x3E  }
.Ltmp14:
0x12d: {  	v10 =	vunpack.i.l.bf16.f32 v11;
	v17 =	vunpack.i.u.bf16.f32 v12;
	v12 =	vunpack.i.l.bf16.f32 v12;
	(pc) =	sbr.rel @p2 .LBB2_24-.Ltmp14, $4  }
0x12e: {  	s15 =	sadd.s32 $0x1, s14;
	v13 =	vand.u32 $0x3F, v13;
	v10 =	vadd.f32 v10, v14;
	v11 =	vmovc v4;
	v16 =	vadd.f32 v12, v17;
	v4 =	vld.idx.msk [tilespmem:v9+s31+$0x0], $0xffff  }
0x12f: {  	s14 =	sadd.s32 $0x2, s14;
	v14 =	vadd.s32 s15, v0;
	v15 =	vmov v5;
	v5 =	vld.idx.msk [tilespmem:v9+s2+$0x0], $0xffff;
	v9 =	vor.u32 v2, v13  }
0x130: {  	v13 =	vand.u32 $0x3F, v14;
	v11 =	vmul.bf16 v15, v11;
	v10 =	vadd.f32 v16, v10;
	v12 =	vmovc v6;
	v6 =	vld.idx.msk [tilespmem:v7+s31+$0x0], $0xffff  }
0x131: {  	v12 =	vmul.bf16 v8, v12;
	v8 =	vld.idx.msk [tilespmem:v7+s2+$0x0], $0xffff;
	v7 =	vor.u32 v2, v13  }
0x132: {  	_ =	sdelay $0x3  }
0x133: {  	v2 =	vld.idx.msk [tilespmem:v9+s31+$0x0], $0xffff  }
0x134: {  	v55 =	vld.idx.msk [tilespmem:v9+s2+$0x0], $0xffff  }
0x135: {  	v15 =	vld.idx.msk [tilespmem:v7+s31+$0x0], $0xffff  }
0x136: {  	v13 =	vunpack.i.u.bf16.f32 v11;
	v58 =	vld.idx.msk [tilespmem:v7+s2+$0x0], $0xffff  }
0x137: {  	v56 =	vunpack.i.l.bf16.f32 v11;
	v14 =	vunpack.i.u.bf16.f32 v12;
	v57 =	vunpack.i.l.bf16.f32 v12  }
0x138: {  	v11 =	vadd.f32 v56, v13;
	v12 =	vadd.f32 v57, v14;
	v4 =	vmul.bf16 v5, v4  }
0x139: {  	v3 =	vadd.f32 v10, v3;
	v6 =	vmul.bf16 v8, v6  }
0x13a: {  	v59 =	vadd.f32 v12, v11;
	v60 =	vunpack.i.u.bf16.f32 v4;
	v4 =	vunpack.i.l.bf16.f32 v4  }
0x13b: {  	v4 =	vadd.f32 v4, v60;
	v2 =	vmul.bf16 v55, v2;
	v5 =	vmul.bf16 v58, v15  }
0x13c: {  	v61 =	vunpack.i.u.bf16.f32 v6;
	v6 =	vunpack.i.l.bf16.f32 v6;
	v3 =	vadd.f32 v59, v3  }
0x13d: {  	v6 =	vadd.f32 v6, v61;
	v62 =	vunpack.i.u.bf16.f32 v2;
	v2 =	vunpack.i.l.bf16.f32 v2  }
0x13e: {  	v63 =	vunpack.i.u.bf16.f32 v5;
	v5 =	vunpack.i.l.bf16.f32 v5;
	v2 =	vadd.f32 v2, v62  }
0x13f: {  	s12 =	sadd.s32 $0x1, s12;
	v5 =	vadd.f32 v5, v63;
	v4 =	vadd.f32 v6, v4  }
0x140: {  	p2 =	sne.s32 s12, $0x5  }
.Ltmp15:
0x141: {  	v2 =	vadd.f32 v5, v2;
	v3 =	vadd.f32 v4, v3;
	(pc) =	sbr.rel @p2 .LBB2_23-.Ltmp15, $3  }
0x142: {  	_ = 	snop  }
0x143: {  	v2 =	vadd.f32 v2, v3;
	_ =	sdelay $0x1  }
0x144: {  	[tilespmem:s13+$0x1EF00] =	vst v2  }
.Ltmp16:
0x145: {  	s8 =	rddreg [dreg:$0xa];
	(pc) =	sbr.rel @p1 .LBB2_28-.Ltmp16, $4  }
0x146: {  	s8 =	sadd.s32 s5, s8  }
0x147: {  	s8 =	sshrl.u32 s8, $0x3  }
0x148: {  	s12 =	simm.s32 $0x1EF00;
	s8 =	sadd.s32 s6, s8  }
0x149: {  	[hbm4b:s8+s4] =	stream.linear.scatter [tilespmem:s12], [sflag:$0x8], $0x50, $0x38;
	[tilespmem:$0x1EFF0] =	vst v63  }
.Ltmp17:
0x14a: {  	(pc) =	sbr.rel .LBB2_29-.Ltmp17, $4  }
0x14b: {  	_ = 	snop  }
0x14c: {  	_ =	swait.ge [sflag:s21], $0x2800  }
0x14d: {  	[sflag:s21] =	ssyncset.done $0x0  }
0x14e: {  	[sflag:s21] =	ssyncadd.s32 $0xFFFFD800  }
.LBB2_28:
0x14f: {  	s8 =	sadd.s32 $0x9E70, s5  }
0x150: {  	[tilespmem:s31], [sflag:$0x3] =	stream.indirect.gather [spmem:s3], $0x40, s8, s22, $0xb8;
	[tilespmem:$0x1EFF0] =	vst v63  }
.Ltmp18:
0x151: {  	s15 =	sadd.s32 $0xC580, s5;
	(pc) =	sbr.rel @p0 .LBB2_30-.Ltmp18, $4  }
0x152: {  	[tilespmem:s2], [sflag:$0x3] =	stream.indirect.gather [spmem:s3], $0x40, s15, s22, $0xb8;
	[tilespmem:$0x1EFF0] =	vst v63  }
0x153: {  	_ =	swait.ge [sflag:s21], $0x2800  }
0x154: {  	[sflag:s21] =	ssyncset.done $0x0  }
0x155: {  	[sflag:s21] =	ssyncadd.s32 $0xFFFFD800  }
.LBB2_29:
0x156: {  	_ =	swait.ge [sflag:s10], $0x50  }
0x157: {  	[sflag:s10] =	ssyncset.done $0x0  }
0x158: {  	[sflag:s10] =	ssyncadd.s32 $0xFFFFFFB0  }
.LBB2_30:
0x159: {  	s8 =	simm.s32 $0x0;
	s12 =	simm.s32 $0x0  }
.LBB2_31:
0x15a: {  	s13 =	sshll.u32 s12, $0x4  }
0x15b: {  	v2 =	vmov s13  }
0x15c: {  	v3 =	vadd.s32 s8, v0;
	v2 =	vshll.u32 v2, $0x6  }
0x15d: {  	s14 =	simm.s32 $0x1;
	v3 =	vand.u32 $0x3F, v3;
	v2 =	vor.u32 v1, v2  }
0x15e: {  	v4 =	vadd.s32 s14, v0;
	v3 =	vor.u32 v2, v3  }
0x15f: {  	v4 =	vand.u32 $0x3F, v4  }
0x160: {  	v4 =	vor.u32 v2, v4  }
0x161: {  	s15 =	simm.s32 $0x2  }
0x162: {  	v5 =	vadd.s32 s15, v0  }
0x163: {  	s15 =	simm.s32 $0x3;
	v5 =	vand.u32 $0x3F, v5;
	v6 =	vld.idx.msk [tilespmem:v3+s28+$0x0], $0xffff  }
0x164: {  	v7 =	vadd.s32 s15, v0;
	v5 =	vor.u32 v2, v5;
	v3 =	vld.idx.msk [tilespmem:v3+s0+$0x0], $0xffff  }
0x165: {  	v7 =	vand.u32 $0x3F, v7;
	v8 =	vld.idx.msk [tilespmem:v4+s28+$0x0], $0xffff  }
0x166: {  	s15 =	simm.s32 $0x4;
	v7 =	vor.u32 v2, v7;
	v4 =	vld.idx.msk [tilespmem:v4+s0+$0x0], $0xffff  }
0x167: {  	v9 =	vadd.s32 s15, v0  }
0x168: {  	s15 =	simm.s32 $0x5;
	v9 =	vand.u32 $0x3F, v9  }
0x169: {  	v11 =	vadd.s32 s15, v0;
	v9 =	vor.u32 v2, v9;
	v10 =	vld.idx.msk [tilespmem:v5+s28+$0x0], $0xffff  }
0x16a: {  	v12 =	vld.idx.msk [tilespmem:v5+s0+$0x0], $0xffff;
	v5 =	vand.u32 $0x3F, v11;
	v6 =	vmul.bf16 v3, v6  }
0x16b: {  	s15 =	simm.s32 $0x6;
	v13 =	vld.idx.msk [tilespmem:v7+s28+$0x0], $0xffff;
	v14 =	vor.u32 v2, v5;
	v4 =	vmul.bf16 v4, v8  }
0x16c: {  	v15 =	vld.idx.msk [tilespmem:v7+s0+$0x0], $0xffff;
	v5 =	vadd.s32 s15, v0;
	v7 =	vunpack.i.u.bf16.f32 v6  }
0x16d: {  	v6 =	vunpack.i.l.bf16.f32 v6;
	v8 =	vunpack.i.u.bf16.f32 v4;
	v11 =	vunpack.i.l.bf16.f32 v4  }
0x16e: {  	s15 =	simm.s32 $0x7;
	v16 =	vand.u32 $0x3F, v5;
	v5 =	vld.idx.msk [tilespmem:v9+s0+$0x0], $0xffff;
	v7 =	vadd.f32 v6, v7;
	v8 =	vadd.f32 v11, v8  }
0x16f: {  	v4 =	vld.idx.msk [tilespmem:v9+s28+$0x0], $0xffff;
	v9 =	vor.u32 v2, v16;
	v6 =	vadd.s32 s15, v0  }
0x170: {  	v11 =	vmul.bf16 v12, v10;
	v63 =	vand.u32 $0x3F, v6;
	v6 =	vld.idx.msk [tilespmem:v14+s28+$0x0], $0xffff;
	v10 =	vadd.f32 v8, v7  }
0x171: {  	s14 =	simm.s32 $0x8;
	v3 =	vimm.f32 $0.0e+00;
	v12 =	vmul.bf16 v15, v13;
	v7 =	vor.u32 v2, v63;
	v8 =	vld.idx.msk [tilespmem:v14+s0+$0x0], $0xffff  }
.LBB2_32:
0x172: {  	v13 =	vadd.s32 s14, v0;
	v14 =	vunpack.i.u.bf16.f32 v11;
	v3 =	vadd.f32 v10, v3;
	p2 =	sne.s32 s14, $0x3E  }
.Ltmp19:
0x173: {  	v10 =	vunpack.i.l.bf16.f32 v11;
	v17 =	vunpack.i.u.bf16.f32 v12;
	v12 =	vunpack.i.l.bf16.f32 v12;
	(pc) =	sbr.rel @p2 .LBB2_32-.Ltmp19, $4  }
0x174: {  	s15 =	sadd.s32 $0x1, s14;
	v13 =	vand.u32 $0x3F, v13;
	v10 =	vadd.f32 v10, v14;
	v11 =	vmovc v4;
	v16 =	vadd.f32 v12, v17;
	v4 =	vld.idx.msk [tilespmem:v9+s28+$0x0], $0xffff  }
0x175: {  	s14 =	sadd.s32 $0x2, s14;
	v14 =	vadd.s32 s15, v0;
	v15 =	vmov v5;
	v5 =	vld.idx.msk [tilespmem:v9+s0+$0x0], $0xffff;
	v9 =	vor.u32 v2, v13  }
0x176: {  	v13 =	vand.u32 $0x3F, v14;
	v11 =	vmul.bf16 v15, v11;
	v10 =	vadd.f32 v16, v10;
	v12 =	vmovc v6;
	v6 =	vld.idx.msk [tilespmem:v7+s28+$0x0], $0xffff  }
0x177: {  	v12 =	vmul.bf16 v8, v12;
	v8 =	vld.idx.msk [tilespmem:v7+s0+$0x0], $0xffff;
	v7 =	vor.u32 v2, v13  }
0x178: {  	_ =	sdelay $0x3  }
0x179: {  	v2 =	vld.idx.msk [tilespmem:v9+s28+$0x0], $0xffff  }
0x17a: {  	v55 =	vld.idx.msk [tilespmem:v9+s0+$0x0], $0xffff  }
0x17b: {  	v15 =	vld.idx.msk [tilespmem:v7+s28+$0x0], $0xffff  }
0x17c: {  	v13 =	vunpack.i.u.bf16.f32 v11;
	v58 =	vld.idx.msk [tilespmem:v7+s0+$0x0], $0xffff  }
0x17d: {  	v56 =	vunpack.i.l.bf16.f32 v11;
	v14 =	vunpack.i.u.bf16.f32 v12;
	v57 =	vunpack.i.l.bf16.f32 v12  }
0x17e: {  	v11 =	vadd.f32 v56, v13;
	v12 =	vadd.f32 v57, v14;
	v4 =	vmul.bf16 v5, v4  }
0x17f: {  	v3 =	vadd.f32 v10, v3;
	v6 =	vmul.bf16 v8, v6  }
0x180: {  	v59 =	vadd.f32 v12, v11;
	v60 =	vunpack.i.u.bf16.f32 v4;
	v4 =	vunpack.i.l.bf16.f32 v4  }
0x181: {  	v4 =	vadd.f32 v4, v60;
	v2 =	vmul.bf16 v55, v2;
	v5 =	vmul.bf16 v58, v15  }
0x182: {  	v61 =	vunpack.i.u.bf16.f32 v6;
	v6 =	vunpack.i.l.bf16.f32 v6;
	v3 =	vadd.f32 v59, v3  }
0x183: {  	v6 =	vadd.f32 v6, v61;
	v62 =	vunpack.i.u.bf16.f32 v2;
	v2 =	vunpack.i.l.bf16.f32 v2  }
0x184: {  	v63 =	vunpack.i.u.bf16.f32 v5;
	v5 =	vunpack.i.l.bf16.f32 v5;
	v2 =	vadd.f32 v2, v62  }
0x185: {  	s12 =	sadd.s32 $0x1, s12;
	v5 =	vadd.f32 v5, v63;
	v4 =	vadd.f32 v6, v4  }
0x186: {  	p2 =	sne.s32 s12, $0x5  }
.Ltmp20:
0x187: {  	v2 =	vadd.f32 v5, v2;
	v3 =	vadd.f32 v4, v3;
	(pc) =	sbr.rel @p2 .LBB2_31-.Ltmp20, $3  }
0x188: {  	_ = 	snop  }
0x189: {  	v2 =	vadd.f32 v2, v3;
	_ =	sdelay $0x1  }
0x18a: {  	[tilespmem:s13+$0x1EF50] =	vst v2  }
.Ltmp21:
0x18b: {  	s8 =	rddreg [dreg:$0xb];
	(pc) =	sbr.rel @p1 .LBB2_36-.Ltmp21, $4  }
0x18c: {  	s8 =	sadd.s32 s5, s8  }
0x18d: {  	s8 =	sshrl.u32 s8, $0x3  }
0x18e: {  	s12 =	simm.s32 $0x1EF50;
	s8 =	sadd.s32 s6, s8  }
0x18f: {  	[hbm4b:s8+s4] =	stream.linear.scatter [tilespmem:s12], [sflag:$0x9], $0x50, $0x38;
	[tilespmem:$0x1EFF0] =	vst v63  }
.Ltmp22:
0x190: {  	(pc) =	sbr.rel .LBB2_37-.Ltmp22, $4  }
0x191: {  	_ = 	snop  }
0x192: {  	_ =	swait.ge [sflag:s9], $0x2800  }
0x193: {  	[sflag:s9] =	ssyncset.done $0x0  }
0x194: {  	[sflag:s9] =	ssyncadd.s32 $0xFFFFD800  }
.LBB2_36:
0x195: {  	s8 =	sadd.s32 $0x9EC0, s5  }
0x196: {  	[tilespmem:s28], [sflag:$0x4] =	stream.indirect.gather [spmem:s3], $0x40, s8, s22, $0xb8;
	[tilespmem:$0x1EFF0] =	vst v63  }
.Ltmp23:
0x197: {  	s15 =	sadd.s32 $0xC5D0, s5;
	(pc) =	sbr.rel @p0 .LBB2_38-.Ltmp23, $4  }
0x198: {  	[tilespmem:s0], [sflag:$0x4] =	stream.indirect.gather [spmem:s3], $0x40, s15, s22, $0xb8;
	[tilespmem:$0x1EFF0] =	vst v63  }
0x199: {  	_ =	swait.ge [sflag:s9], $0x2800  }
0x19a: {  	[sflag:s9] =	ssyncset.done $0x0  }
0x19b: {  	[sflag:s9] =	ssyncadd.s32 $0xFFFFD800  }
.LBB2_37:
0x19c: {  	_ =	swait.ge [sflag:s19], $0x50  }
0x19d: {  	[sflag:s19] =	ssyncset.done $0x0  }
0x19e: {  	[sflag:s19] =	ssyncadd.s32 $0xFFFFFFB0  }
.LBB2_38:
0x19f: {  	s8 =	simm.s32 $0x0;
	s12 =	simm.s32 $0x0  }
.LBB2_39:
0x1a0: {  	s13 =	sshll.u32 s12, $0x4  }
0x1a1: {  	v2 =	vmov s13  }
0x1a2: {  	v3 =	vadd.s32 s8, v0;
	v2 =	vshll.u32 v2, $0x6  }
0x1a3: {  	s14 =	simm.s32 $0x1;
	v3 =	vand.u32 $0x3F, v3;
	v2 =	vor.u32 v1, v2  }
0x1a4: {  	v4 =	vadd.s32 s14, v0;
	v3 =	vor.u32 v2, v3  }
0x1a5: {  	v4 =	vand.u32 $0x3F, v4  }
0x1a6: {  	v4 =	vor.u32 v2, v4  }
0x1a7: {  	s15 =	simm.s32 $0x2  }
0x1a8: {  	v5 =	vadd.s32 s15, v0  }
0x1a9: {  	s15 =	simm.s32 $0x3;
	v5 =	vand.u32 $0x3F, v5;
	v6 =	vld.idx.msk [tilespmem:v3+s30+$0x0], $0xffff  }
0x1aa: {  	v7 =	vadd.s32 s15, v0;
	v5 =	vor.u32 v2, v5;
	v3 =	vld.idx.msk [tilespmem:v3+s25+$0x0], $0xffff  }
0x1ab: {  	v7 =	vand.u32 $0x3F, v7;
	v8 =	vld.idx.msk [tilespmem:v4+s30+$0x0], $0xffff  }
0x1ac: {  	s15 =	simm.s32 $0x4;
	v7 =	vor.u32 v2, v7;
	v4 =	vld.idx.msk [tilespmem:v4+s25+$0x0], $0xffff  }
0x1ad: {  	v9 =	vadd.s32 s15, v0  }
0x1ae: {  	s15 =	simm.s32 $0x5;
	v9 =	vand.u32 $0x3F, v9  }
0x1af: {  	v11 =	vadd.s32 s15, v0;
	v9 =	vor.u32 v2, v9;
	v10 =	vld.idx.msk [tilespmem:v5+s30+$0x0], $0xffff  }
0x1b0: {  	v12 =	vld.idx.msk [tilespmem:v5+s25+$0x0], $0xffff;
	v5 =	vand.u32 $0x3F, v11;
	v6 =	vmul.bf16 v3, v6  }
0x1b1: {  	s15 =	simm.s32 $0x6;
	v13 =	vld.idx.msk [tilespmem:v7+s30+$0x0], $0xffff;
	v14 =	vor.u32 v2, v5;
	v4 =	vmul.bf16 v4, v8  }
0x1b2: {  	v15 =	vld.idx.msk [tilespmem:v7+s25+$0x0], $0xffff;
	v5 =	vadd.s32 s15, v0;
	v7 =	vunpack.i.u.bf16.f32 v6  }
0x1b3: {  	v6 =	vunpack.i.l.bf16.f32 v6;
	v8 =	vunpack.i.u.bf16.f32 v4;
	v11 =	vunpack.i.l.bf16.f32 v4  }
0x1b4: {  	s15 =	simm.s32 $0x7;
	v16 =	vand.u32 $0x3F, v5;
	v5 =	vld.idx.msk [tilespmem:v9+s25+$0x0], $0xffff;
	v7 =	vadd.f32 v6, v7;
	v8 =	vadd.f32 v11, v8  }
0x1b5: {  	v4 =	vld.idx.msk [tilespmem:v9+s30+$0x0], $0xffff;
	v9 =	vor.u32 v2, v16;
	v6 =	vadd.s32 s15, v0  }
0x1b6: {  	v11 =	vmul.bf16 v12, v10;
	v63 =	vand.u32 $0x3F, v6;
	v6 =	vld.idx.msk [tilespmem:v14+s30+$0x0], $0xffff;
	v10 =	vadd.f32 v8, v7  }
0x1b7: {  	s14 =	simm.s32 $0x8;
	v3 =	vimm.f32 $0.0e+00;
	v12 =	vmul.bf16 v15, v13;
	v7 =	vor.u32 v2, v63;
	v8 =	vld.idx.msk [tilespmem:v14+s25+$0x0], $0xffff  }
.LBB2_40:
0x1b8: {  	v13 =	vadd.s32 s14, v0;
	v14 =	vunpack.i.u.bf16.f32 v11;
	v3 =	vadd.f32 v10, v3;
	p0 =	sne.s32 s14, $0x3E  }
.Ltmp24:
0x1b9: {  	v10 =	vunpack.i.l.bf16.f32 v11;
	v17 =	vunpack.i.u.bf16.f32 v12;
	v12 =	vunpack.i.l.bf16.f32 v12;
	(pc) =	sbr.rel @p0 .LBB2_40-.Ltmp24, $4  }
0x1ba: {  	s15 =	sadd.s32 $0x1, s14;
	v13 =	vand.u32 $0x3F, v13;
	v10 =	vadd.f32 v10, v14;
	v11 =	vmovc v4;
	v16 =	vadd.f32 v12, v17;
	v4 =	vld.idx.msk [tilespmem:v9+s30+$0x0], $0xffff  }
0x1bb: {  	s14 =	sadd.s32 $0x2, s14;
	v14 =	vadd.s32 s15, v0;
	v15 =	vmov v5;
	v5 =	vld.idx.msk [tilespmem:v9+s25+$0x0], $0xffff;
	v9 =	vor.u32 v2, v13  }
0x1bc: {  	v13 =	vand.u32 $0x3F, v14;
	v11 =	vmul.bf16 v15, v11;
	v10 =	vadd.f32 v16, v10;
	v12 =	vmovc v6;
	v6 =	vld.idx.msk [tilespmem:v7+s30+$0x0], $0xffff  }
0x1bd: {  	v12 =	vmul.bf16 v8, v12;
	v8 =	vld.idx.msk [tilespmem:v7+s25+$0x0], $0xffff;
	v7 =	vor.u32 v2, v13  }
0x1be: {  	_ =	sdelay $0x3  }
0x1bf: {  	v2 =	vld.idx.msk [tilespmem:v9+s30+$0x0], $0xffff  }
0x1c0: {  	v55 =	vld.idx.msk [tilespmem:v9+s25+$0x0], $0xffff  }
0x1c1: {  	v15 =	vld.idx.msk [tilespmem:v7+s30+$0x0], $0xffff  }
0x1c2: {  	v13 =	vunpack.i.u.bf16.f32 v11;
	v58 =	vld.idx.msk [tilespmem:v7+s25+$0x0], $0xffff  }
0x1c3: {  	v56 =	vunpack.i.l.bf16.f32 v11;
	v14 =	vunpack.i.u.bf16.f32 v12;
	v57 =	vunpack.i.l.bf16.f32 v12  }
0x1c4: {  	v11 =	vadd.f32 v56, v13;
	v12 =	vadd.f32 v57, v14;
	v4 =	vmul.bf16 v5, v4  }
0x1c5: {  	v3 =	vadd.f32 v10, v3;
	v6 =	vmul.bf16 v8, v6  }
0x1c6: {  	v59 =	vadd.f32 v12, v11;
	v60 =	vunpack.i.u.bf16.f32 v4;
	v4 =	vunpack.i.l.bf16.f32 v4  }
0x1c7: {  	v4 =	vadd.f32 v4, v60;
	v2 =	vmul.bf16 v55, v2;
	v5 =	vmul.bf16 v58, v15  }
0x1c8: {  	v61 =	vunpack.i.u.bf16.f32 v6;
	v6 =	vunpack.i.l.bf16.f32 v6;
	v3 =	vadd.f32 v59, v3  }
0x1c9: {  	v6 =	vadd.f32 v6, v61;
	v62 =	vunpack.i.u.bf16.f32 v2;
	v2 =	vunpack.i.l.bf16.f32 v2  }
0x1ca: {  	v63 =	vunpack.i.u.bf16.f32 v5;
	v5 =	vunpack.i.l.bf16.f32 v5;
	v2 =	vadd.f32 v2, v62  }
0x1cb: {  	s12 =	sadd.s32 $0x1, s12;
	v5 =	vadd.f32 v5, v63;
	v4 =	vadd.f32 v6, v4  }
0x1cc: {  	p0 =	sne.s32 s12, $0x5  }
.Ltmp25:
0x1cd: {  	v2 =	vadd.f32 v5, v2;
	v3 =	vadd.f32 v4, v3;
	(pc) =	sbr.rel @p0 .LBB2_39-.Ltmp25, $3  }
0x1ce: {  	_ = 	snop  }
0x1cf: {  	v2 =	vadd.f32 v2, v3;
	_ =	sdelay $0x1  }
0x1d0: {  	[tilespmem:s13+$0x1EFA0] =	vst v2  }
0x1d1: {  	p0 =	seq.s32 s7, $0x18  }
.Ltmp26:
0x1d2: {  	s8 =	rddreg [dreg:$0xc];
	(pc) =	sbr.rel @p0 .LBB2_44-.Ltmp26, $4  }
0x1d3: {  	s8 =	sadd.s32 s5, s8  }
0x1d4: {  	s8 =	sshrl.u32 s8, $0x3  }
0x1d5: {  	s12 =	simm.s32 $0x1EFA0;
	s8 =	sadd.s32 s6, s8  }
0x1d6: {  	[hbm4b:s8+s4] =	stream.linear.scatter [tilespmem:s12], [sflag:$0xA], $0x50, $0x38;
	[tilespmem:$0x1EFF0] =	vst v63  }
.Ltmp27:
0x1d7: {  	(pc) =	sbr.rel .LBB2_6-.Ltmp27, $4  }
0x1d8: {  	s8 =	sadd.s32 $0x9F10, s5  }
0x1d9: {  	[tilespmem:s30], [sflag:$0x5] =	stream.indirect.gather [spmem:s3], $0x40, s8, s22, $0xb8;
	[tilespmem:$0x1EFF0] =	vst v63  }
0x1da: {  	s15 =	sadd.s32 $0xC620, s5;
	s7 =	sadd.s32 $0x1, s7  }
0x1db: {  	[tilespmem:s25], [sflag:$0x5] =	stream.indirect.gather [spmem:s3], $0x40, s15, s22, $0xb8;
	[tilespmem:$0x1EFF0] =	vst v63  }
.LBB2_45:
0x1dc: {  	_ =	sfence.sel $0x180000  }
0x1dd: {  	[bflag:$0x0] =	sbarrier.arrive $0xFFFF  }
0x1de: {  	_ =	strace $0x90000047  }
0x1df: {  	s0 =	stileid.u32;
	[bflag:$0x2] =	sbarrier.arrive $0xFFFF  }
0x1e0: {  	p0 =	sne.s32 s0, $0x0;
	s0 =	rddreg [dreg:$0x3]  }
0x1e1: {  	s0 =	sadd.s32 @!p0 $0x100000, s0  }
0x1e2: {  	[sflag:s0] =	ssyncadd.tile.s32 @!p0 $0x1;
	_ =	shalt  }
.Lfunc_end2:
_tile_overlayer_lowered:
.L_overlay_start_2:
0x1e3: {  	(tag) =	ssettag $0x2  }
0x1e4: {  	s0 =	rddreg [dreg:$0x0];
	s2 =	stileid.u32  }
0x1e5: {  	s1 =	rddreg [dreg:$0x1];
	p0 =	sne.s32 s2, $0x0  }
0x1e6: {  	s3 =	rddreg [dreg:$0x2];
	[bflag:$0x3] =	sbarrier.arrive $0xFFFF;
	s2 =	simm.s32 @!p0 $0x1C0B  }
0x1e7: {  	[timem:s3], [sflag:s2] =	dma.local @!p0 [hbm:s0], s1  }
0x1e8: {  	s0 =	simm.s32 @!p0 $0xB  }
0x1e9: {  	_ =	swait.ge @!p0 [sflag:s0], s1  }
0x1ea: {  	s1 =	ssub.s32 @!p0 $0x0, s1;
	[sflag:s0] =	ssyncset.done @!p0 $0x0  }
0x1eb: {  	[sflag:s0] =	ssyncadd.s32 @!p0 s1  }
0x1ec: {  	[bflag:$0x3] =	sbarrier.arrive $0xFFFF  }
0x1ed: {  	_ =	shalt  }

</sc_bundles>
